<compile_context>
chip_gen: v7x
topology: tpu7x:2x2x1
jax: 0.10.2.dev20260603
libtpu: 0.0.44.dev20260713+nightly
codegen_flags: <defaults>
</compile_context>

<pallas_src>
import functools

import jax
import jax.numpy as jnp
from jax import lax
from jax.experimental import pallas as pl
from jax.experimental.pallas import tpu as pltpu
from jax.experimental.pallas import tpu_sc as plsc

NC = 2
NS = 16
NW = NC * NS
C = 128
G = 3
B = C * G


def _combine_body(ec_ref, clt_ref, emb_ref, out_ref):
    out_ref[...] = (
        jnp.dot(ec_ref[...], clt_ref[...], preferred_element_type=jnp.float32)
        + emb_ref[...]
    )


def _build_combined(ec_pad, clt_pad, emb_pad):
    zp, d = emb_pad.shape
    return pl.pallas_call(
        _combine_body,
        out_shape=jax.ShapeDtypeStruct((zp, d), jnp.float32),
    )(ec_pad, clt_pad, emb_pad)


def _make_gather(n, d, zp, nfull, tail, direct):
    mesh = plsc.VectorSubcoreMesh(
        core_axis_name="c", subcore_axis_name="s", num_cores=NC, num_subcores=NS
    )
    q, rem = divmod(nfull, NW)
    kmax = q + (1 if rem else 0)
    smax = max((kmax + (1 if tail else 0)) * B, B)

    @functools.partial(
        pl.kernel,
        out_type=jax.ShapeDtypeStruct((n, d), jnp.float32),
        mesh=mesh,
        scratch_types=[
            pltpu.VMEM((smax,), jnp.int32),
            pltpu.VMEM((B, d), jnp.float32),
            pltpu.VMEM((B, d), jnp.float32),
            pltpu.MemorySpace.VMEM_SHARED((zp, d), jnp.float32),
            pltpu.SemaphoreType.DMA,
            pltpu.SemaphoreType.DMA,
            pltpu.SemaphoreType.DMA,
            pltpu.SemaphoreType.DMA,
        ],
    )
    def gather_k(table_hbm, idx_hbm, out_hbm, idx_v, rows0, rows1, table_sp,
                 sg0, sg1, ss0, ss1):
        wid = lax.axis_index("s") * NC + lax.axis_index("c")

        @pl.when(lax.axis_index("s") == 0)
        def _():
            pltpu.sync_copy(table_hbm, table_sp)

        plsc.subcore_barrier()
        nk = jnp.where(wid < rem, q + 1, q)
        start = wid * q + jnp.minimum(wid, rem)
        base = start * B

        rows = (rows0, rows1)
        sg = (sg0, sg1)
        ss = (ss0, ss1)

        if direct:
            wstart = jnp.minimum(base, n - smax)
            off = base - wstart
        else:
            wstart = base
            off = 0
        pltpu.sync_copy(idx_hbm.at[pl.ds(wstart, smax)], idx_v)

        def gather_descs(j, b):
            return [
                pltpu.make_async_copy(
                    table_sp.at[idx_v.at[pl.ds(off + j * B + p * C, C)]],
                    rows[b].at[pl.ds(p * C, C)],
                    sg[b],
                )
                for p in range(G)
            ]

        def store_desc(j, b):
            return pltpu.make_async_copy(
                rows[b], out_hbm.at[pl.ds(base + j * B, B)], ss[b]
            )

        @pl.when(nk > 0)
        def _():
            for dsc in gather_descs(0, 0):
                dsc.start()

        def handle(j, b):
            @pl.when(j < nk)
            def _():
                for dsc in gather_descs(j, b):
                    dsc.wait()
                store_desc(j, b).start()

                @pl.when(j + 1 < nk)
                def _():
                    @pl.when(j >= 1)
                    def _():
                        store_desc(j - 1, 1 - b).wait()

                    for dsc in gather_descs(j + 1, 1 - b):
                        dsc.start()

        def pair(g, carry):
            handle(2 * g, 0)
            handle(2 * g + 1, 1)
            return carry

        lax.fori_loop(0, (kmax + 1) // 2, pair, 0)

        for b in (0, 1):
            @pl.when(nk > b)
            def _(b=b):
                jl = nk - 1 - ((nk - 1 - b) % 2)
                store_desc(jl, b).wait()

        if tail > 0:
            pieces = []
            done = 0
            while done < tail:
                pieces.append((done, min(C, tail - done)))
                done += pieces[-1][1]

            @pl.when(wid == NW - 1)
            def _():
                tail_off = (nfull * B - wstart) if direct else q * B

                def tdesc(o, sz):
                    return pltpu.make_async_copy(
                        table_sp.at[idx_v.at[pl.ds(tail_off + o, sz)]],
                        rows0.at[pl.ds(o, sz)],
                        sg0,
                    )

                for o, sz in pieces:
                    tdesc(o, sz).start()
                for o, sz in pieces:
                    tdesc(o, sz).wait()
                pltpu.sync_copy(
                    rows0.at[pl.ds(0, tail)],
                    out_hbm.at[pl.ds(nfull * B, tail)],
                )

    return gather_k


def kernel(atomic_numbers, electron_config, emb_table, config_linear):
    n = atomic_numbers.shape[0]
    max_z, ec_dim = electron_config.shape
    d = emb_table.shape[1]

    zp = (max_z + 7) // 8 * 8
    kp = 128
    ec_pad = jnp.zeros((zp, kp), jnp.float32).at[:max_z, :ec_dim].set(electron_config)
    clt_pad = jnp.zeros((kp, d), jnp.float32).at[:ec_dim, :].set(config_linear.T)
    emb_pad = jnp.zeros((zp, d), jnp.float32).at[:max_z, :].set(emb_table)

    combined = _build_combined(ec_pad, clt_pad, emb_pad)

    nfull, tail = divmod(n, B)
    q, rem = divmod(nfull, NW)
    kmax = q + (1 if rem else 0)
    smax = max((kmax + (1 if tail else 0)) * B, B)
    idx = atomic_numbers.astype(jnp.int32)
    direct = (n % 8 == 0) and (n >= smax)
    if not direct:
        last_start = ((NW - 1) * q + min(NW - 1, rem)) * B
        npad = max(last_start + smax, nfull * B + (B if tail else 0))
        idx = jnp.zeros((npad,), jnp.int32).at[:n].set(idx)

    gather_k = _make_gather(n, d, zp, nfull, tail, direct)
    return gather_k(combined, idx)

# --- scband reference (transcript-rebuilt; emitter-appended) ---
"""Pipeline reference for scband-spooky-net-atomic-embedding-26121991094370 (READ-ONLY COPY).

The authoritative reference and input builder live on the scoring server;
editing this copy changes nothing except your own understanding.
"""

import jax, jax.numpy as jnp
import numpy as np

_EC_RAW = [[0,0,0,0,0,0,0,0,0,0,0,0,0,0,0,0,0,0,0,0],[1,1,0,0,0,0,0,0,0,0,0,0,0,0,0,0,1,0,0,0],[2,2,0,0,0,0,0,0,0,0,0,0,0,0,0,0,2,0,0,0],[3,2,1,0,0,0,0,0,0,0,0,0,0,0,0,0,1,0,0,0],[4,2,2,0,0,0,0,0,0,0,0,0,0,0,0,0,2,0,0,0],[5,2,2,1,0,0,0,0,0,0,0,0,0,0,0,0,2,1,0,0],[6,2,2,2,0,0,0,0,0,0,0,0,0,0,0,0,2,2,0,0],[7,2,2,3,0,0,0,0,0,0,0,0,0,0,0,0,2,3,0,0],[8,2,2,4,0,0,0,0,0,0,0,0,0,0,0,0,2,4,0,0],[9,2,2,5,0,0,0,0,0,0,0,0,0,0,0,0,2,5,0,0],[10,2,2,6,0,0,0,0,0,0,0,0,0,0,0,0,2,6,0,0],[11,2,2,6,1,0,0,0,0,0,0,0,0,0,0,0,1,0,0,0],[12,2,2,6,2,0,0,0,0,0,0,0,0,0,0,0,2,0,0,0],[13,2,2,6,2,1,0,0,0,0,0,0,0,0,0,0,2,1,0,0],[14,2,2,6,2,2,0,0,0,0,0,0,0,0,0,0,2,2,0,0],[15,2,2,6,2,3,0,0,0,0,0,0,0,0,0,0,2,3,0,0],[16,2,2,6,2,4,0,0,0,0,0,0,0,0,0,0,2,4,0,0],[17,2,2,6,2,5,0,0,0,0,0,0,0,0,0,0,2,5,0,0],[18,2,2,6,2,6,0,0,0,0,0,0,0,0,0,0,2,6,0,0],[19,2,2,6,2,6,1,0,0,0,0,0,0,0,0,0,1,0,0,0],[20,2,2,6,2,6,2,0,0,0,0,0,0,0,0,0,2,0,0,0],[21,2,2,6,2,6,2,1,0,0,0,0,0,0,0,0,2,0,1,0],[22,2,2,6,2,6,2,2,0,0,0,0,0,0,0,0,2,0,2,0],[23,2,2,6,2,6,2,3,0,0,0,0,0,0,0,0,2,0,3,0],[24,2,2,6,2,6,1,5,0,0,0,0,0,0,0,0,1,0,5,0],[25,2,2,6,2,6,2,5,0,0,0,0,0,0,0,0,2,0,5,0],[26,2,2,6,2,6,2,6,0,0,0,0,0,0,0,0,2,0,6,0],[27,2,2,6,2,6,2,7,0,0,0,0,0,0,0,0,2,0,7,0],[28,2,2,6,2,6,2,8,0,0,0,0,0,0,0,0,2,0,8,0],[29,2,2,6,2,6,1,10,0,0,0,0,0,0,0,0,1,0,10,0],[30,2,2,6,2,6,2,10,0,0,0,0,0,0,0,0,2,0,10,0],[31,2,2,6,2,6,2,10,1,0,0,0,0,0,0,0,2,1,10,0],[32,2,2,6,2,6,2,10,2,0,0,0,0,0,0,0,2,2,10,0],[33,2,2,6,2,6,2,10,3,0,0,0,0,0,0,0,2,3,10,0],[34,2,2,6,2,6,2,10,4,0,0,0,0,0,0,0,2,4,10,0],[35,2,2,6,2,6,2,10,5,0,0,0,0,0,0,0,2,5,10,0],[36,2,2,6,2,6,2,10,6,0,0,0,0,0,0,0,2,6,10,0],[37,2,2,6,2,6,2,10,6,1,0,0,0,0,0,0,1,0,0,0],[38,2,2,6,2,6,2,10,6,2,0,0,0,0,0,0,2,0,0,0],[39,2,2,6,2,6,2,10,6,2,1,0,0,0,0,0,2,0,1,0],[40,2,2,6,2,6,2,10,6,2,2,0,0,0,0,0,2,0,2,0],[41,2,2,6,2,6,2,10,6,1,4,0,0,0,0,0,1,0,4,0],[42,2,2,6,2,6,2,10,6,1,5,0,0,0,0,0,1,0,5,0],[43,2,2,6,2,6,2,10,6,2,5,0,0,0,0,0,2,0,5,0],[44,2,2,6,2,6,2,10,6,1,7,0,0,0,0,0,1,0,7,0],[45,2,2,6,2,6,2,10,6,1,8,0,0,0,0,0,1,0,8,0],[46,2,2,6,2,6,2,10,6,0,10,0,0,0,0,0,0,0,10,0],[47,2,2,6,2,6,2,10,6,1,10,0,0,0,0,0,1,0,10,0],[48,2,2,6,2,6,2,10,6,2,10,0,0,0,0,0,2,0,10,0],[49,2,2,6,2,6,2,10,6,2,10,1,0,0,0,0,2,1,10,0],[50,2,2,6,2,6,2,10,6,2,10,2,0,0,0,0,2,2,10,0],[51,2,2,6,2,6,2,10,6,2,10,3,0,0,0,0,2,3,10,0],[52,2,2,6,2,6,2,10,6,2,10,4,0,0,0,0,2,4,10,0],[53,2,2,6,2,6,2,10,6,2,10,5,0,0,0,0,2,5,10,0],[54,2,2,6,2,6,2,10,6,2,10,6,0,0,0,0,2,6,10,0],[55,2,2,6,2,6,2,10,6,2,10,6,1,0,0,0,1,0,0,0],[56,2,2,6,2,6,2,10,6,2,10,6,2,0,0,0,2,0,0,0],[57,2,2,6,2,6,2,10,6,2,10,6,2,0,1,0,2,0,1,0],[58,2,2,6,2,6,2,10,6,2,10,6,2,1,1,0,2,0,1,1],[59,2,2,6,2,6,2,10,6,2,10,6,2,3,0,0,2,0,0,3],[60,2,2,6,2,6,2,10,6,2,10,6,2,4,0,0,2,0,0,4],[61,2,2,6,2,6,2,10,6,2,10,6,2,5,0,0,2,0,0,5],[62,2,2,6,2,6,2,10,6,2,10,6,2,6,0,0,2,0,0,6],[63,2,2,6,2,6,2,10,6,2,10,6,2,7,0,0,2,0,0,7],[64,2,2,6,2,6,2,10,6,2,10,6,2,7,1,0,2,0,1,7],[65,2,2,6,2,6,2,10,6,2,10,6,2,9,0,0,2,0,0,9],[66,2,2,6,2,6,2,10,6,2,10,6,2,10,0,0,2,0,0,10],[67,2,2,6,2,6,2,10,6,2,10,6,2,11,0,0,2,0,0,11],[68,2,2,6,2,6,2,10,6,2,10,6,2,12,0,0,2,0,0,12],[69,2,2,6,2,6,2,10,6,2,10,6,2,13,0,0,2,0,0,13],[70,2,2,6,2,6,2,10,6,2,10,6,2,14,0,0,2,0,0,14],[71,2,2,6,2,6,2,10,6,2,10,6,2,14,1,0,2,0,1,14],[72,2,2,6,2,6,2,10,6,2,10,6,2,14,2,0,2,0,2,14],[73,2,2,6,2,6,2,10,6,2,10,6,2,14,3,0,2,0,3,14],[74,2,2,6,2,6,2,10,6,2,10,6,2,14,4,0,2,0,4,14],[75,2,2,6,2,6,2,10,6,2,10,6,2,14,5,0,2,0,5,14],[76,2,2,6,2,6,2,10,6,2,10,6,2,14,6,0,2,0,6,14],[77,2,2,6,2,6,2,10,6,2,10,6,2,14,7,0,2,0,7,14],[78,2,2,6,2,6,2,10,6,1,14,9,0,0,0,0,1,0,9,14],[79,2,2,6,2,6,2,10,6,1,14,10,0,0,0,0,1,0,10,14],[80,2,2,6,2,6,2,10,6,2,14,10,0,0,0,0,2,0,10,14],[81,2,2,6,2,6,2,10,6,2,14,10,1,0,0,0,2,1,10,14],[82,2,2,6,2,6,2,10,6,2,14,10,2,0,0,0,2,2,10,14],[83,2,2,6,2,6,2,10,6,2,14,10,3,0,0,0,2,3,10,14],[84,2,2,6,2,6,2,10,6,2,14,10,4,0,0,0,2,4,10,14],[85,2,2,6,2,6,2,10,6,2,14,10,5,0,0,0,2,5,10,14],[86,2,2,6,2,6,2,10,6,2,14,10,6,0,0,0,2,6,10,14]]

def _make_electron_config():
    ec = np.array(_EC_RAW, dtype=np.float32)
    mx = ec.max(axis=0)
    mx = np.where(mx == 0.0, 1.0, mx)
    return jnp.asarray(ec / mx)

N_ATOMS = 500000
MAX_Z = 87
D_FEAT = 128
EC_DIM = 20

def setup_inputs(seed: int = 0) -> dict:
    key = jax.random.key(seed)
    k1, k2, k3 = jax.random.split(key, 3)
    atomic_numbers = jax.random.randint(k1, (N_ATOMS,), 0, MAX_Z, dtype=jnp.int64 if jax.config.jax_enable_x64 else jnp.int32)
    emb_table = jax.random.normal(k2, (MAX_Z, D_FEAT), dtype=jnp.float32) * 0.02
    config_linear = jax.random.normal(k3, (D_FEAT, EC_DIM), dtype=jnp.float32) * 0.02
    electron_config = _make_electron_config()
    return {"atomic_numbers": atomic_numbers, "electron_config": electron_config, "emb_table": emb_table, "config_linear": config_linear}

def reference(atomic_numbers, electron_config, emb_table, config_linear):
    gathered_ec = jnp.take(electron_config, atomic_numbers, axis=0)
    config_part = jnp.einsum('fe,ne->nf', config_linear, gathered_ec)
    emb_part = jnp.take(emb_table, atomic_numbers, axis=0)
    return config_part + emb_part

if __name__ == "__main__":
    import jax
    _d = setup_inputs()
    print(jax.jit(kernel)(*tuple(_d.values())))

</pallas_src>

<mosaic_0001>
#map = affine_map<(d0, d1) -> (0, 0)>
#map1 = affine_map<(d0, d1) -> (0)>
module attributes {stable_mosaic.version = 14 : i64} {
  func.func @gather_k(%arg0: i32, %arg1: i32, %arg2: memref<88x128xf32, #tpu.memory_space<hbm>>, %arg3: memref<500000xi32, #tpu.memory_space<hbm>>, %arg4: memref<500000x128xf32, #tpu.memory_space<hbm>>, %arg5: memref<16128xi32, #tpu.memory_space<vmem>>, %arg6: memref<384x128xf32, #tpu.memory_space<vmem>>, %arg7: memref<384x128xf32, #tpu.memory_space<vmem>>, %arg8: memref<88x128xf32, #tpu.memory_space<vmem_shared>>, %arg9: memref<!tpu.dma_semaphore, #tpu.memory_space<semaphore_mem>>, %arg10: memref<!tpu.dma_semaphore, #tpu.memory_space<semaphore_mem>>, %arg11: memref<!tpu.dma_semaphore, #tpu.memory_space<semaphore_mem>>, %arg12: memref<!tpu.dma_semaphore, #tpu.memory_space<semaphore_mem>>) attributes {dimension_semantics = [#tpu.dimension_semantics<core_parallel>, #tpu.dimension_semantics<subcore_parallel>], iteration_bounds = array<i64: 2, 16>, scalar_prefetch = 0 : i64, scratch_operands = 8 : i64, tpu.core_type = #tpu.core_type<sc_vector_subcore>, window_params = [{transform_indices = #map}, {transform_indices = #map1}, {transform_indices = #map}]} {
    %mul3A = arith.constant 2 : i32
    %mul3A_0 = arith.muli %arg1, %mul3A : i32
    %add3A = arith.addi %mul3A_0, %arg0 : i32
    %eq3A = arith.constant 0 : i32
    %eq3A_1 = arith.cmpi eq, %arg1, %eq3A : i32
    %convert_element_type3A = arith.extui %eq3A_1 : i1 to i32
    %cond3A = arith.constant 0 : i32
    %cond3A_2 = arith.cmpi ne, %convert_element_type3A, %cond3A : i32
    scf.if %cond3A_2 {
      "tpu.region"() ({
        %run_scoped3A = tpu.sem_alloc : memref<!tpu.dma_semaphore, #tpu.memory_space<semaphore_mem>>
        tpu.enqueue_dma source(%arg2 : memref<88x128xf32, #tpu.memory_space<hbm>>) target(%arg8 : memref<88x128xf32, #tpu.memory_space<vmem_shared>>) target_semaphore(%run_scoped3A : memref<!tpu.dma_semaphore, #tpu.memory_space<semaphore_mem>>)
        tpu.wait_dma2 semaphore(%run_scoped3A : memref<!tpu.dma_semaphore, #tpu.memory_space<semaphore_mem>>) src(%arg2 : memref<88x128xf32, #tpu.memory_space<hbm>>) dst(%arg8 : memref<88x128xf32, #tpu.memory_space<vmem_shared>>)
        tpu.yield
      }) : () -> ()
    } else {
    }
    %barrier3A = arith.constant 0 : index
    tpu.barrier barrier_id(%barrier3A)
    %lt3A = arith.constant 22 : i32
    %lt3A_3 = arith.cmpi slt, %add3A, %lt3A : i32
    %jit3A = arith.constant 41 : i32
    %jit3A_4 = arith.constant 40 : i32
    %select_n3A = arith.select %lt3A_3, %jit3A, %jit3A_4 : i32
    %mul3A_5 = arith.constant 40 : i32
    %mul3A_6 = arith.muli %add3A, %mul3A_5 : i32
    %min3A = arith.constant 22 : i32
    %min3A_7 = arith.minsi %add3A, %min3A : i32
    %add3A_8 = arith.addi %mul3A_6, %min3A_7 : i32
    %mul3A_9 = arith.constant 384 : i32
    %mul3A_10 = arith.muli %add3A_8, %mul3A_9 : i32
    %min3A_11 = arith.constant 483872 : i32
    %min3A_12 = arith.minsi %mul3A_10, %min3A_11 : i32
    %sub3A = arith.subi %mul3A_10, %min3A_12 : i32
    "tpu.region"() ({
      %run_scoped3A = tpu.sem_alloc : memref<!tpu.dma_semaphore, #tpu.memory_space<semaphore_mem>>
      %dma_start3A = tpu.memref_slice %arg3[%min3A_12] : memref<500000xi32, #tpu.memory_space<hbm>> -> memref<16128xi32, #tpu.memory_space<hbm>>
      %dma_start3A_37 = tpu.memref_slice %arg3[%min3A_12] : memref<500000xi32, #tpu.memory_space<hbm>> -> memref<16128xi32, #tpu.memory_space<hbm>>
      tpu.enqueue_dma source(%dma_start3A_37 : memref<16128xi32, #tpu.memory_space<hbm>>) target(%arg5 : memref<16128xi32, #tpu.memory_space<vmem>>) target_semaphore(%run_scoped3A : memref<!tpu.dma_semaphore, #tpu.memory_space<semaphore_mem>>)
      %dma_wait3A = tpu.memref_slice %arg3[%min3A_12] : memref<500000xi32, #tpu.memory_space<hbm>> -> memref<16128xi32, #tpu.memory_space<hbm>>
      %dma_wait3A_38 = tpu.memref_slice %arg3[%min3A_12] : memref<500000xi32, #tpu.memory_space<hbm>> -> memref<16128xi32, #tpu.memory_space<hbm>>
      tpu.wait_dma2 semaphore(%run_scoped3A : memref<!tpu.dma_semaphore, #tpu.memory_space<semaphore_mem>>) src(%dma_wait3A_38 : memref<16128xi32, #tpu.memory_space<hbm>>) dst(%arg5 : memref<16128xi32, #tpu.memory_space<vmem>>)
      tpu.yield
    }) : () -> ()
    %gt3A = arith.constant 0 : i32
    %gt3A_13 = arith.cmpi sgt, %select_n3A, %gt3A : i32
    %convert_element_type3A_14 = arith.extui %gt3A_13 : i1 to i32
    %cond3A_15 = arith.constant 0 : i32
    %cond3A_16 = arith.cmpi ne, %convert_element_type3A_14, %cond3A_15 : i32
    scf.if %cond3A_16 {
      %add3A_37 = arith.constant 0 : i32
      %add3A_38 = arith.addi %sub3A, %add3A_37 : i32
      %add3A_39 = arith.constant 0 : i32
      %add3A_40 = arith.addi %add3A_38, %add3A_39 : i32
      %add3A_41 = arith.constant 0 : i32
      %add3A_42 = arith.addi %sub3A, %add3A_41 : i32
      %add3A_43 = arith.constant 128 : i32
      %add3A_44 = arith.addi %add3A_42, %add3A_43 : i32
      %add3A_45 = arith.constant 0 : i32
      %add3A_46 = arith.addi %sub3A, %add3A_45 : i32
      %add3A_47 = arith.constant 256 : i32
      %add3A_48 = arith.addi %add3A_46, %add3A_47 : i32
      %dma_start3A = arith.constant 0 : i32
      %dma_start3A_49 = arith.constant 0 : i32
      %dma_start3A_50 = tpu.memref_slice %arg6[%dma_start3A, %dma_start3A_49] : memref<384x128xf32, #tpu.memory_space<vmem>> -> memref<128x128xf32, #tpu.memory_space<vmem>>
      %dma_start3A_51 = tpu.memref_slice %arg5[%add3A_40] : memref<16128xi32, #tpu.memory_space<vmem>> -> memref<128xi32, #tpu.memory_space<vmem>>
      %dma_start3A_52 = arith.constant 0 : i32
      %dma_start3A_53 = arith.constant 0 : i32
      %dma_start3A_54 = tpu.memref_slice %arg8[%dma_start3A_52, %dma_start3A_53] : memref<88x128xf32, #tpu.memory_space<vmem_shared>> -> memref<88x128xf32, #tpu.memory_space<vmem_shared>>
      tpu.enqueue_indirect_dma source(%dma_start3A_54 : memref<88x128xf32, #tpu.memory_space<vmem_shared>>) target(%dma_start3A_50 : memref<128x128xf32, #tpu.memory_space<vmem>>) offsets(%dma_start3A_51 : memref<128xi32, #tpu.memory_space<vmem>>) semaphore(%arg9 : memref<!tpu.dma_semaphore, #tpu.memory_space<semaphore_mem>>)
      %dma_start3A_55 = arith.constant 128 : i32
      %dma_start3A_56 = arith.constant 0 : i32
      %dma_start3A_57 = tpu.memref_slice %arg6[%dma_start3A_55, %dma_start3A_56] : memref<384x128xf32, #tpu.memory_space<vmem>> -> memref<128x128xf32, #tpu.memory_space<vmem>>
      %dma_start3A_58 = tpu.memref_slice %arg5[%add3A_44] : memref<16128xi32, #tpu.memory_space<vmem>> -> memref<128xi32, #tpu.memory_space<vmem>>
      %dma_start3A_59 = arith.constant 0 : i32
      %dma_start3A_60 = arith.constant 0 : i32
      %dma_start3A_61 = tpu.memref_slice %arg8[%dma_start3A_59, %dma_start3A_60] : memref<88x128xf32, #tpu.memory_space<vmem_shared>> -> memref<88x128xf32, #tpu.memory_space<vmem_shared>>
      tpu.enqueue_indirect_dma source(%dma_start3A_61 : memref<88x128xf32, #tpu.memory_space<vmem_shared>>) target(%dma_start3A_57 : memref<128x128xf32, #tpu.memory_space<vmem>>) offsets(%dma_start3A_58 : memref<128xi32, #tpu.memory_space<vmem>>) semaphore(%arg9 : memref<!tpu.dma_semaphore, #tpu.memory_space<semaphore_mem>>)
      %dma_start3A_62 = arith.constant 256 : i32
      %dma_start3A_63 = arith.constant 0 : i32
      %dma_start3A_64 = tpu.memref_slice %arg6[%dma_start3A_62, %dma_start3A_63] : memref<384x128xf32, #tpu.memory_space<vmem>> -> memref<128x128xf32, #tpu.memory_space<vmem>>
      %dma_start3A_65 = tpu.memref_slice %arg5[%add3A_48] : memref<16128xi32, #tpu.memory_space<vmem>> -> memref<128xi32, #tpu.memory_space<vmem>>
      %dma_start3A_66 = arith.constant 0 : i32
      %dma_start3A_67 = arith.constant 0 : i32
      %dma_start3A_68 = tpu.memref_slice %arg8[%dma_start3A_66, %dma_start3A_67] : memref<88x128xf32, #tpu.memory_space<vmem_shared>> -> memref<88x128xf32, #tpu.memory_space<vmem_shared>>
      tpu.enqueue_indirect_dma source(%dma_start3A_68 : memref<88x128xf32, #tpu.memory_space<vmem_shared>>) target(%dma_start3A_64 : memref<128x128xf32, #tpu.memory_space<vmem>>) offsets(%dma_start3A_65 : memref<128xi32, #tpu.memory_space<vmem>>) semaphore(%arg9 : memref<!tpu.dma_semaphore, #tpu.memory_space<semaphore_mem>>)
    } else {
    }
    %scan3A = arith.constant 0 : i32
    %scan3A_17 = arith.constant 0 : i32
    %scan3A_18 = arith.constant 21 : i32
    %scan3A_19 = arith.addi %scan3A_17, %scan3A_18 : i32
    %scan3A_20 = arith.constant 1 : i32
    scf.for %scan3A_37 = %scan3A_17 to %scan3A_19 step %scan3A_20  : i32 {
      %mul3A_38 = arith.constant 2 : i32
      %mul3A_39 = arith.muli %mul3A_38, %scan3A_37 : i32
      %lt3A_40 = arith.cmpi slt, %mul3A_39, %select_n3A : i32
      %convert_element_type3A_41 = arith.extui %lt3A_40 : i1 to i32
      %cond3A_42 = arith.constant 0 : i32
      %cond3A_43 = arith.cmpi ne, %convert_element_type3A_41, %cond3A_42 : i32
      scf.if %cond3A_43 {
        %mul3A_52 = arith.constant 384 : i32
        %mul3A_53 = arith.muli %mul3A_39, %mul3A_52 : i32
        %add3A_54 = arith.addi %sub3A, %mul3A_53 : i32
        %add3A_55 = arith.constant 0 : i32
        %add3A_56 = arith.addi %add3A_54, %add3A_55 : i32
        %mul3A_57 = arith.constant 384 : i32
        %mul3A_58 = arith.muli %mul3A_39, %mul3A_57 : i32
        %add3A_59 = arith.addi %sub3A, %mul3A_58 : i32
        %add3A_60 = arith.constant 128 : i32
        %add3A_61 = arith.addi %add3A_59, %add3A_60 : i32
        %mul3A_62 = arith.constant 384 : i32
        %mul3A_63 = arith.muli %mul3A_39, %mul3A_62 : i32
        %add3A_64 = arith.addi %sub3A, %mul3A_63 : i32
        %add3A_65 = arith.constant 256 : i32
        %add3A_66 = arith.addi %add3A_64, %add3A_65 : i32
        %dma_wait3A = arith.constant 0 : i32
        %dma_wait3A_67 = arith.constant 0 : i32
        %dma_wait3A_68 = tpu.memref_slice %arg6[%dma_wait3A, %dma_wait3A_67] : memref<384x128xf32, #tpu.memory_space<vmem>> -> memref<128x128xf32, #tpu.memory_space<vmem>>
        %dma_wait3A_69 = tpu.memref_slice %arg5[%add3A_56] : memref<16128xi32, #tpu.memory_space<vmem>> -> memref<128xi32, #tpu.memory_space<vmem>>
        %dma_wait3A_70 = arith.constant 0 : i32
        %dma_wait3A_71 = arith.constant 0 : i32
        %dma_wait3A_72 = tpu.memref_slice %arg8[%dma_wait3A_70, %dma_wait3A_71] : memref<88x128xf32, #tpu.memory_space<vmem_shared>> -> memref<88x128xf32, #tpu.memory_space<vmem_shared>>
        tpu.wait_indirect_dma semaphore(%arg9 : memref<!tpu.dma_semaphore, #tpu.memory_space<semaphore_mem>>) src(%dma_wait3A_72 : memref<88x128xf32, #tpu.memory_space<vmem_shared>>) dst(%dma_wait3A_68 : memref<128x128xf32, #tpu.memory_space<vmem>>)
        %dma_wait3A_73 = arith.constant 128 : i32
        %dma_wait3A_74 = arith.constant 0 : i32
        %dma_wait3A_75 = tpu.memref_slice %arg6[%dma_wait3A_73, %dma_wait3A_74] : memref<384x128xf32, #tpu.memory_space<vmem>> -> memref<128x128xf32, #tpu.memory_space<vmem>>
        %dma_wait3A_76 = tpu.memref_slice %arg5[%add3A_61] : memref<16128xi32, #tpu.memory_space<vmem>> -> memref<128xi32, #tpu.memory_space<vmem>>
        %dma_wait3A_77 = arith.constant 0 : i32
        %dma_wait3A_78 = arith.constant 0 : i32
        %dma_wait3A_79 = tpu.memref_slice %arg8[%dma_wait3A_77, %dma_wait3A_78] : memref<88x128xf32, #tpu.memory_space<vmem_shared>> -> memref<88x128xf32, #tpu.memory_space<vmem_shared>>
        tpu.wait_indirect_dma semaphore(%arg9 : memref<!tpu.dma_semaphore, #tpu.memory_space<semaphore_mem>>) src(%dma_wait3A_79 : memref<88x128xf32, #tpu.memory_space<vmem_shared>>) dst(%dma_wait3A_75 : memref<128x128xf32, #tpu.memory_space<vmem>>)
        %dma_wait3A_80 = arith.constant 256 : i32
        %dma_wait3A_81 = arith.constant 0 : i32
        %dma_wait3A_82 = tpu.memref_slice %arg6[%dma_wait3A_80, %dma_wait3A_81] : memref<384x128xf32, #tpu.memory_space<vmem>> -> memref<128x128xf32, #tpu.memory_space<vmem>>
        %dma_wait3A_83 = tpu.memref_slice %arg5[%add3A_66] : memref<16128xi32, #tpu.memory_space<vmem>> -> memref<128xi32, #tpu.memory_space<vmem>>
        %dma_wait3A_84 = arith.constant 0 : i32
        %dma_wait3A_85 = arith.constant 0 : i32
        %dma_wait3A_86 = tpu.memref_slice %arg8[%dma_wait3A_84, %dma_wait3A_85] : memref<88x128xf32, #tpu.memory_space<vmem_shared>> -> memref<88x128xf32, #tpu.memory_space<vmem_shared>>
        tpu.wait_indirect_dma semaphore(%arg9 : memref<!tpu.dma_semaphore, #tpu.memory_space<semaphore_mem>>) src(%dma_wait3A_86 : memref<88x128xf32, #tpu.memory_space<vmem_shared>>) dst(%dma_wait3A_82 : memref<128x128xf32, #tpu.memory_space<vmem>>)
        %mul3A_87 = arith.constant 384 : i32
        %mul3A_88 = arith.muli %mul3A_39, %mul3A_87 : i32
        %add3A_89 = arith.addi %mul3A_10, %mul3A_88 : i32
        %dma_start3A = arith.constant 0 : i32
        %dma_start3A_90 = tpu.memref_slice %arg4[%add3A_89, %dma_start3A] : memref<500000x128xf32, #tpu.memory_space<hbm>> -> memref<384x128xf32, #tpu.memory_space<hbm>>
        %dma_start3A_91 = arith.constant 0 : i32
        %dma_start3A_92 = tpu.memref_slice %arg4[%add3A_89, %dma_start3A_91] : memref<500000x128xf32, #tpu.memory_space<hbm>> -> memref<384x128xf32, #tpu.memory_space<hbm>>
        tpu.enqueue_dma source(%arg6 : memref<384x128xf32, #tpu.memory_space<vmem>>) target(%dma_start3A_92 : memref<384x128xf32, #tpu.memory_space<hbm>>) target_semaphore(%arg11 : memref<!tpu.dma_semaphore, #tpu.memory_space<semaphore_mem>>)
        %add3A_93 = arith.constant 1 : i32
        %add3A_94 = arith.addi %mul3A_39, %add3A_93 : i32
        %lt3A_95 = arith.cmpi slt, %add3A_94, %select_n3A : i32
        %convert_element_type3A_96 = arith.extui %lt3A_95 : i1 to i32
        %cond3A_97 = arith.constant 0 : i32
        %cond3A_98 = arith.cmpi ne, %convert_element_type3A_96, %cond3A_97 : i32
        scf.if %cond3A_98 {
          %ge3A = arith.constant 1 : i32
          %ge3A_99 = arith.cmpi sge, %mul3A_39, %ge3A : i32
          %convert_element_type3A_100 = arith.extui %ge3A_99 : i1 to i32
          %cond3A_101 = arith.constant 0 : i32
          %cond3A_102 = arith.cmpi ne, %convert_element_type3A_100, %cond3A_101 : i32
          scf.if %cond3A_102 {
            %sub3A_141 = arith.constant 1 : i32
            %sub3A_142 = arith.subi %mul3A_39, %sub3A_141 : i32
            %mul3A_143 = arith.constant 384 : i32
            %mul3A_144 = arith.muli %sub3A_142, %mul3A_143 : i32
            %add3A_145 = arith.addi %mul3A_10, %mul3A_144 : i32
            %dma_wait3A_146 = arith.constant 0 : i32
            %dma_wait3A_147 = tpu.memref_slice %arg4[%add3A_145, %dma_wait3A_146] : memref<500000x128xf32, #tpu.memory_space<hbm>> -> memref<384x128xf32, #tpu.memory_space<hbm>>
            %dma_wait3A_148 = arith.constant 0 : i32
            %dma_wait3A_149 = tpu.memref_slice %arg4[%add3A_145, %dma_wait3A_148] : memref<500000x128xf32, #tpu.memory_space<hbm>> -> memref<384x128xf32, #tpu.memory_space<hbm>>
            tpu.wait_dma2 semaphore(%arg12 : memref<!tpu.dma_semaphore, #tpu.memory_space<semaphore_mem>>) src(%arg7 : memref<384x128xf32, #tpu.memory_space<vmem>>) dst(%dma_wait3A_149 : memref<384x128xf32, #tpu.memory_space<hbm>>)
          } else {
          }
          %add3A_103 = arith.constant 1 : i32
          %add3A_104 = arith.addi %mul3A_39, %add3A_103 : i32
          %mul3A_105 = arith.constant 384 : i32
          %mul3A_106 = arith.muli %add3A_104, %mul3A_105 : i32
          %add3A_107 = arith.addi %sub3A, %mul3A_106 : i32
          %add3A_108 = arith.constant 0 : i32
          %add3A_109 = arith.addi %add3A_107, %add3A_108 : i32
          %mul3A_110 = arith.constant 384 : i32
          %mul3A_111 = arith.muli %add3A_104, %mul3A_110 : i32
          %add3A_112 = arith.addi %sub3A, %mul3A_111 : i32
          %add3A_113 = arith.constant 128 : i32
          %add3A_114 = arith.addi %add3A_112, %add3A_113 : i32
          %mul3A_115 = arith.constant 384 : i32
          %mul3A_116 = arith.muli %add3A_104, %mul3A_115 : i32
          %add3A_117 = arith.addi %sub3A, %mul3A_116 : i32
          %add3A_118 = arith.constant 256 : i32
          %add3A_119 = arith.addi %add3A_117, %add3A_118 : i32
          %dma_start3A_120 = arith.constant 0 : i32
          %dma_start3A_121 = arith.constant 0 : i32
          %dma_start3A_122 = tpu.memref_slice %arg7[%dma_start3A_120, %dma_start3A_121] : memref<384x128xf32, #tpu.memory_space<vmem>> -> memref<128x128xf32, #tpu.memory_space<vmem>>
          %dma_start3A_123 = tpu.memref_slice %arg5[%add3A_109] : memref<16128xi32, #tpu.memory_space<vmem>> -> memref<128xi32, #tpu.memory_space<vmem>>
          %dma_start3A_124 = arith.constant 0 : i32
          %dma_start3A_125 = arith.constant 0 : i32
          %dma_start3A_126 = tpu.memref_slice %arg8[%dma_start3A_124, %dma_start3A_125] : memref<88x128xf32, #tpu.memory_space<vmem_shared>> -> memref<88x128xf32, #tpu.memory_space<vmem_shared>>
          tpu.enqueue_indirect_dma source(%dma_start3A_126 : memref<88x128xf32, #tpu.memory_space<vmem_shared>>) target(%dma_start3A_122 : memref<128x128xf32, #tpu.memory_space<vmem>>) offsets(%dma_start3A_123 : memref<128xi32, #tpu.memory_space<vmem>>) semaphore(%arg10 : memref<!tpu.dma_semaphore, #tpu.memory_space<semaphore_mem>>)
          %dma_start3A_127 = arith.constant 128 : i32
          %dma_start3A_128 = arith.constant 0 : i32
          %dma_start3A_129 = tpu.memref_slice %arg7[%dma_start3A_127, %dma_start3A_128] : memref<384x128xf32, #tpu.memory_space<vmem>> -> memref<128x128xf32, #tpu.memory_space<vmem>>
          %dma_start3A_130 = tpu.memref_slice %arg5[%add3A_114] : memref<16128xi32, #tpu.memory_space<vmem>> -> memref<128xi32, #tpu.memory_space<vmem>>
          %dma_start3A_131 = arith.constant 0 : i32
          %dma_start3A_132 = arith.constant 0 : i32
          %dma_start3A_133 = tpu.memref_slice %arg8[%dma_start3A_131, %dma_start3A_132] : memref<88x128xf32, #tpu.memory_space<vmem_shared>> -> memref<88x128xf32, #tpu.memory_space<vmem_shared>>
          tpu.enqueue_indirect_dma source(%dma_start3A_133 : memref<88x128xf32, #tpu.memory_space<vmem_shared>>) target(%dma_start3A_129 : memref<128x128xf32, #tpu.memory_space<vmem>>) offsets(%dma_start3A_130 : memref<128xi32, #tpu.memory_space<vmem>>) semaphore(%arg10 : memref<!tpu.dma_semaphore, #tpu.memory_space<semaphore_mem>>)
          %dma_start3A_134 = arith.constant 256 : i32
          %dma_start3A_135 = arith.constant 0 : i32
          %dma_start3A_136 = tpu.memref_slice %arg7[%dma_start3A_134, %dma_start3A_135] : memref<384x128xf32, #tpu.memory_space<vmem>> -> memref<128x128xf32, #tpu.memory_space<vmem>>
          %dma_start3A_137 = tpu.memref_slice %arg5[%add3A_119] : memref<16128xi32, #tpu.memory_space<vmem>> -> memref<128xi32, #tpu.memory_space<vmem>>
          %dma_start3A_138 = arith.constant 0 : i32
          %dma_start3A_139 = arith.constant 0 : i32
          %dma_start3A_140 = tpu.memref_slice %arg8[%dma_start3A_138, %dma_start3A_139] : memref<88x128xf32, #tpu.memory_space<vmem_shared>> -> memref<88x128xf32, #tpu.memory_space<vmem_shared>>
          tpu.enqueue_indirect_dma source(%dma_start3A_140 : memref<88x128xf32, #tpu.memory_space<vmem_shared>>) target(%dma_start3A_136 : memref<128x128xf32, #tpu.memory_space<vmem>>) offsets(%dma_start3A_137 : memref<128xi32, #tpu.memory_space<vmem>>) semaphore(%arg10 : memref<!tpu.dma_semaphore, #tpu.memory_space<semaphore_mem>>)
        } else {
        }
      } else {
      }
      %mul3A_44 = arith.constant 2 : i32
      %mul3A_45 = arith.muli %mul3A_44, %scan3A_37 : i32
      %add3A_46 = arith.constant 1 : i32
      %add3A_47 = arith.addi %mul3A_45, %add3A_46 : i32
      %lt3A_48 = arith.cmpi slt, %add3A_47, %select_n3A : i32
      %convert_element_type3A_49 = arith.extui %lt3A_48 : i1 to i32
      %cond3A_50 = arith.constant 0 : i32
      %cond3A_51 = arith.cmpi ne, %convert_element_type3A_49, %cond3A_50 : i32
      scf.if %cond3A_51 {
        %mul3A_52 = arith.constant 384 : i32
        %mul3A_53 = arith.muli %add3A_47, %mul3A_52 : i32
        %add3A_54 = arith.addi %sub3A, %mul3A_53 : i32
        %add3A_55 = arith.constant 0 : i32
        %add3A_56 = arith.addi %add3A_54, %add3A_55 : i32
        %mul3A_57 = arith.constant 384 : i32
        %mul3A_58 = arith.muli %add3A_47, %mul3A_57 : i32
        %add3A_59 = arith.addi %sub3A, %mul3A_58 : i32
        %add3A_60 = arith.constant 128 : i32
        %add3A_61 = arith.addi %add3A_59, %add3A_60 : i32
        %mul3A_62 = arith.constant 384 : i32
        %mul3A_63 = arith.muli %add3A_47, %mul3A_62 : i32
        %add3A_64 = arith.addi %sub3A, %mul3A_63 : i32
        %add3A_65 = arith.constant 256 : i32
        %add3A_66 = arith.addi %add3A_64, %add3A_65 : i32
        %dma_wait3A = arith.constant 0 : i32
        %dma_wait3A_67 = arith.constant 0 : i32
        %dma_wait3A_68 = tpu.memref_slice %arg7[%dma_wait3A, %dma_wait3A_67] : memref<384x128xf32, #tpu.memory_space<vmem>> -> memref<128x128xf32, #tpu.memory_space<vmem>>
        %dma_wait3A_69 = tpu.memref_slice %arg5[%add3A_56] : memref<16128xi32, #tpu.memory_space<vmem>> -> memref<128xi32, #tpu.memory_space<vmem>>
        %dma_wait3A_70 = arith.constant 0 : i32
        %dma_wait3A_71 = arith.constant 0 : i32
        %dma_wait3A_72 = tpu.memref_slice %arg8[%dma_wait3A_70, %dma_wait3A_71] : memref<88x128xf32, #tpu.memory_space<vmem_shared>> -> memref<88x128xf32, #tpu.memory_space<vmem_shared>>
        tpu.wait_indirect_dma semaphore(%arg10 : memref<!tpu.dma_semaphore, #tpu.memory_space<semaphore_mem>>) src(%dma_wait3A_72 : memref<88x128xf32, #tpu.memory_space<vmem_shared>>) dst(%dma_wait3A_68 : memref<128x128xf32, #tpu.memory_space<vmem>>)
        %dma_wait3A_73 = arith.constant 128 : i32
        %dma_wait3A_74 = arith.constant 0 : i32
        %dma_wait3A_75 = tpu.memref_slice %arg7[%dma_wait3A_73, %dma_wait3A_74] : memref<384x128xf32, #tpu.memory_space<vmem>> -> memref<128x128xf32, #tpu.memory_space<vmem>>
        %dma_wait3A_76 = tpu.memref_slice %arg5[%add3A_61] : memref<16128xi32, #tpu.memory_space<vmem>> -> memref<128xi32, #tpu.memory_space<vmem>>
        %dma_wait3A_77 = arith.constant 0 : i32
        %dma_wait3A_78 = arith.constant 0 : i32
        %dma_wait3A_79 = tpu.memref_slice %arg8[%dma_wait3A_77, %dma_wait3A_78] : memref<88x128xf32, #tpu.memory_space<vmem_shared>> -> memref<88x128xf32, #tpu.memory_space<vmem_shared>>
        tpu.wait_indirect_dma semaphore(%arg10 : memref<!tpu.dma_semaphore, #tpu.memory_space<semaphore_mem>>) src(%dma_wait3A_79 : memref<88x128xf32, #tpu.memory_space<vmem_shared>>) dst(%dma_wait3A_75 : memref<128x128xf32, #tpu.memory_space<vmem>>)
        %dma_wait3A_80 = arith.constant 256 : i32
        %dma_wait3A_81 = arith.constant 0 : i32
        %dma_wait3A_82 = tpu.memref_slice %arg7[%dma_wait3A_80, %dma_wait3A_81] : memref<384x128xf32, #tpu.memory_space<vmem>> -> memref<128x128xf32, #tpu.memory_space<vmem>>
        %dma_wait3A_83 = tpu.memref_slice %arg5[%add3A_66] : memref<16128xi32, #tpu.memory_space<vmem>> -> memref<128xi32, #tpu.memory_space<vmem>>
        %dma_wait3A_84 = arith.constant 0 : i32
        %dma_wait3A_85 = arith.constant 0 : i32
        %dma_wait3A_86 = tpu.memref_slice %arg8[%dma_wait3A_84, %dma_wait3A_85] : memref<88x128xf32, #tpu.memory_space<vmem_shared>> -> memref<88x128xf32, #tpu.memory_space<vmem_shared>>
        tpu.wait_indirect_dma semaphore(%arg10 : memref<!tpu.dma_semaphore, #tpu.memory_space<semaphore_mem>>) src(%dma_wait3A_86 : memref<88x128xf32, #tpu.memory_space<vmem_shared>>) dst(%dma_wait3A_82 : memref<128x128xf32, #tpu.memory_space<vmem>>)
        %mul3A_87 = arith.constant 384 : i32
        %mul3A_88 = arith.muli %add3A_47, %mul3A_87 : i32
        %add3A_89 = arith.addi %mul3A_10, %mul3A_88 : i32
        %dma_start3A = arith.constant 0 : i32
        %dma_start3A_90 = tpu.memref_slice %arg4[%add3A_89, %dma_start3A] : memref<500000x128xf32, #tpu.memory_space<hbm>> -> memref<384x128xf32, #tpu.memory_space<hbm>>
        %dma_start3A_91 = arith.constant 0 : i32
        %dma_start3A_92 = tpu.memref_slice %arg4[%add3A_89, %dma_start3A_91] : memref<500000x128xf32, #tpu.memory_space<hbm>> -> memref<384x128xf32, #tpu.memory_space<hbm>>
        tpu.enqueue_dma source(%arg7 : memref<384x128xf32, #tpu.memory_space<vmem>>) target(%dma_start3A_92 : memref<384x128xf32, #tpu.memory_space<hbm>>) target_semaphore(%arg12 : memref<!tpu.dma_semaphore, #tpu.memory_space<semaphore_mem>>)
        %add3A_93 = arith.constant 1 : i32
        %add3A_94 = arith.addi %add3A_47, %add3A_93 : i32
        %lt3A_95 = arith.cmpi slt, %add3A_94, %select_n3A : i32
        %convert_element_type3A_96 = arith.extui %lt3A_95 : i1 to i32
        %cond3A_97 = arith.constant 0 : i32
        %cond3A_98 = arith.cmpi ne, %convert_element_type3A_96, %cond3A_97 : i32
        scf.if %cond3A_98 {
          %ge3A = arith.constant 1 : i32
          %ge3A_99 = arith.cmpi sge, %add3A_47, %ge3A : i32
          %convert_element_type3A_100 = arith.extui %ge3A_99 : i1 to i32
          %cond3A_101 = arith.constant 0 : i32
          %cond3A_102 = arith.cmpi ne, %convert_element_type3A_100, %cond3A_101 : i32
          scf.if %cond3A_102 {
            %sub3A_141 = arith.constant 1 : i32
            %sub3A_142 = arith.subi %add3A_47, %sub3A_141 : i32
            %mul3A_143 = arith.constant 384 : i32
            %mul3A_144 = arith.muli %sub3A_142, %mul3A_143 : i32
            %add3A_145 = arith.addi %mul3A_10, %mul3A_144 : i32
            %dma_wait3A_146 = arith.constant 0 : i32
            %dma_wait3A_147 = tpu.memref_slice %arg4[%add3A_145, %dma_wait3A_146] : memref<500000x128xf32, #tpu.memory_space<hbm>> -> memref<384x128xf32, #tpu.memory_space<hbm>>
            %dma_wait3A_148 = arith.constant 0 : i32
            %dma_wait3A_149 = tpu.memref_slice %arg4[%add3A_145, %dma_wait3A_148] : memref<500000x128xf32, #tpu.memory_space<hbm>> -> memref<384x128xf32, #tpu.memory_space<hbm>>
            tpu.wait_dma2 semaphore(%arg11 : memref<!tpu.dma_semaphore, #tpu.memory_space<semaphore_mem>>) src(%arg6 : memref<384x128xf32, #tpu.memory_space<vmem>>) dst(%dma_wait3A_149 : memref<384x128xf32, #tpu.memory_space<hbm>>)
          } else {
          }
          %add3A_103 = arith.constant 1 : i32
          %add3A_104 = arith.addi %add3A_47, %add3A_103 : i32
          %mul3A_105 = arith.constant 384 : i32
          %mul3A_106 = arith.muli %add3A_104, %mul3A_105 : i32
          %add3A_107 = arith.addi %sub3A, %mul3A_106 : i32
          %add3A_108 = arith.constant 0 : i32
          %add3A_109 = arith.addi %add3A_107, %add3A_108 : i32
          %mul3A_110 = arith.constant 384 : i32
          %mul3A_111 = arith.muli %add3A_104, %mul3A_110 : i32
          %add3A_112 = arith.addi %sub3A, %mul3A_111 : i32
          %add3A_113 = arith.constant 128 : i32
          %add3A_114 = arith.addi %add3A_112, %add3A_113 : i32
          %mul3A_115 = arith.constant 384 : i32
          %mul3A_116 = arith.muli %add3A_104, %mul3A_115 : i32
          %add3A_117 = arith.addi %sub3A, %mul3A_116 : i32
          %add3A_118 = arith.constant 256 : i32
          %add3A_119 = arith.addi %add3A_117, %add3A_118 : i32
          %dma_start3A_120 = arith.constant 0 : i32
          %dma_start3A_121 = arith.constant 0 : i32
          %dma_start3A_122 = tpu.memref_slice %arg6[%dma_start3A_120, %dma_start3A_121] : memref<384x128xf32, #tpu.memory_space<vmem>> -> memref<128x128xf32, #tpu.memory_space<vmem>>
          %dma_start3A_123 = tpu.memref_slice %arg5[%add3A_109] : memref<16128xi32, #tpu.memory_space<vmem>> -> memref<128xi32, #tpu.memory_space<vmem>>
          %dma_start3A_124 = arith.constant 0 : i32
          %dma_start3A_125 = arith.constant 0 : i32
          %dma_start3A_126 = tpu.memref_slice %arg8[%dma_start3A_124, %dma_start3A_125] : memref<88x128xf32, #tpu.memory_space<vmem_shared>> -> memref<88x128xf32, #tpu.memory_space<vmem_shared>>
          tpu.enqueue_indirect_dma source(%dma_start3A_126 : memref<88x128xf32, #tpu.memory_space<vmem_shared>>) target(%dma_start3A_122 : memref<128x128xf32, #tpu.memory_space<vmem>>) offsets(%dma_start3A_123 : memref<128xi32, #tpu.memory_space<vmem>>) semaphore(%arg9 : memref<!tpu.dma_semaphore, #tpu.memory_space<semaphore_mem>>)
          %dma_start3A_127 = arith.constant 128 : i32
          %dma_start3A_128 = arith.constant 0 : i32
          %dma_start3A_129 = tpu.memref_slice %arg6[%dma_start3A_127, %dma_start3A_128] : memref<384x128xf32, #tpu.memory_space<vmem>> -> memref<128x128xf32, #tpu.memory_space<vmem>>
          %dma_start3A_130 = tpu.memref_slice %arg5[%add3A_114] : memref<16128xi32, #tpu.memory_space<vmem>> -> memref<128xi32, #tpu.memory_space<vmem>>
          %dma_start3A_131 = arith.constant 0 : i32
          %dma_start3A_132 = arith.constant 0 : i32
          %dma_start3A_133 = tpu.memref_slice %arg8[%dma_start3A_131, %dma_start3A_132] : memref<88x128xf32, #tpu.memory_space<vmem_shared>> -> memref<88x128xf32, #tpu.memory_space<vmem_shared>>
          tpu.enqueue_indirect_dma source(%dma_start3A_133 : memref<88x128xf32, #tpu.memory_space<vmem_shared>>) target(%dma_start3A_129 : memref<128x128xf32, #tpu.memory_space<vmem>>) offsets(%dma_start3A_130 : memref<128xi32, #tpu.memory_space<vmem>>) semaphore(%arg9 : memref<!tpu.dma_semaphore, #tpu.memory_space<semaphore_mem>>)
          %dma_start3A_134 = arith.constant 256 : i32
          %dma_start3A_135 = arith.constant 0 : i32
          %dma_start3A_136 = tpu.memref_slice %arg6[%dma_start3A_134, %dma_start3A_135] : memref<384x128xf32, #tpu.memory_space<vmem>> -> memref<128x128xf32, #tpu.memory_space<vmem>>
          %dma_start3A_137 = tpu.memref_slice %arg5[%add3A_119] : memref<16128xi32, #tpu.memory_space<vmem>> -> memref<128xi32, #tpu.memory_space<vmem>>
          %dma_start3A_138 = arith.constant 0 : i32
          %dma_start3A_139 = arith.constant 0 : i32
          %dma_start3A_140 = tpu.memref_slice %arg8[%dma_start3A_138, %dma_start3A_139] : memref<88x128xf32, #tpu.memory_space<vmem_shared>> -> memref<88x128xf32, #tpu.memory_space<vmem_shared>>
          tpu.enqueue_indirect_dma source(%dma_start3A_140 : memref<88x128xf32, #tpu.memory_space<vmem_shared>>) target(%dma_start3A_136 : memref<128x128xf32, #tpu.memory_space<vmem>>) offsets(%dma_start3A_137 : memref<128xi32, #tpu.memory_space<vmem>>) semaphore(%arg9 : memref<!tpu.dma_semaphore, #tpu.memory_space<semaphore_mem>>)
        } else {
        }
      } else {
      }
    }
    %scan3A_21 = arith.constant 21 : i32
    %gt3A_22 = arith.constant 0 : i32
    %gt3A_23 = arith.cmpi sgt, %select_n3A, %gt3A_22 : i32
    %convert_element_type3A_24 = arith.extui %gt3A_23 : i1 to i32
    %cond3A_25 = arith.constant 0 : i32
    %cond3A_26 = arith.cmpi ne, %convert_element_type3A_24, %cond3A_25 : i32
    scf.if %cond3A_26 {
      %sub3A_37 = arith.constant 1 : i32
      %sub3A_38 = arith.subi %select_n3A, %sub3A_37 : i32
      %sub3A_39 = arith.constant 1 : i32
      %sub3A_40 = arith.subi %select_n3A, %sub3A_39 : i32
      %sub3A_41 = arith.constant 0 : i32
      %sub3A_42 = arith.subi %sub3A_40, %sub3A_41 : i32
      %jit3A_43 = arith.constant 2 : i32
      %eq3A_44 = arith.constant 0 : i32
      %eq3A_45 = arith.cmpi eq, %jit3A_43, %eq3A_44 : i32
      %jit3A_46 = arith.constant 1 : i32
      %select_n3A_47 = arith.select %eq3A_45, %jit3A_46, %jit3A_43 : i32
      %rem3A = arith.remsi %sub3A_42, %select_n3A_47 : i32
      %ne3A = arith.constant 0 : i32
      %ne3A_48 = arith.cmpi ne, %rem3A, %ne3A : i32
      %lt3A_49 = arith.constant 0 : i32
      %lt3A_50 = arith.cmpi slt, %rem3A, %lt3A_49 : i32
      %lt3A_51 = arith.constant 0 : i32
      %lt3A_52 = arith.cmpi slt, %select_n3A_47, %lt3A_51 : i32
      %ne3A_53 = arith.xori %lt3A_50, %lt3A_52 : i1
      %and3A = arith.andi %ne3A_53, %ne3A_48 : i1
      %add3A_54 = arith.addi %rem3A, %select_n3A_47 : i32
      %select_n3A_55 = arith.select %and3A, %add3A_54, %rem3A : i32
      %sub3A_56 = arith.subi %sub3A_38, %select_n3A_55 : i32
      %mul3A_57 = arith.constant 384 : i32
      %mul3A_58 = arith.muli %sub3A_56, %mul3A_57 : i32
      %add3A_59 = arith.addi %mul3A_10, %mul3A_58 : i32
      %dma_wait3A = arith.constant 0 : i32
      %dma_wait3A_60 = tpu.memref_slice %arg4[%add3A_59, %dma_wait3A] : memref<500000x128xf32, #tpu.memory_space<hbm>> -> memref<384x128xf32, #tpu.memory_space<hbm>>
      %dma_wait3A_61 = arith.constant 0 : i32
      %dma_wait3A_62 = tpu.memref_slice %arg4[%add3A_59, %dma_wait3A_61] : memref<500000x128xf32, #tpu.memory_space<hbm>> -> memref<384x128xf32, #tpu.memory_space<hbm>>
      tpu.wait_dma2 semaphore(%arg11 : memref<!tpu.dma_semaphore, #tpu.memory_space<semaphore_mem>>) src(%arg6 : memref<384x128xf32, #tpu.memory_space<vmem>>) dst(%dma_wait3A_62 : memref<384x128xf32, #tpu.memory_space<hbm>>)
    } else {
    }
    %gt3A_27 = arith.constant 1 : i32
    %gt3A_28 = arith.cmpi sgt, %select_n3A, %gt3A_27 : i32
    %convert_element_type3A_29 = arith.extui %gt3A_28 : i1 to i32
    %cond3A_30 = arith.constant 0 : i32
    %cond3A_31 = arith.cmpi ne, %convert_element_type3A_29, %cond3A_30 : i32
    scf.if %cond3A_31 {
      %sub3A_37 = arith.constant 1 : i32
      %sub3A_38 = arith.subi %select_n3A, %sub3A_37 : i32
      %sub3A_39 = arith.constant 1 : i32
      %sub3A_40 = arith.subi %select_n3A, %sub3A_39 : i32
      %sub3A_41 = arith.constant 1 : i32
      %sub3A_42 = arith.subi %sub3A_40, %sub3A_41 : i32
      %jit3A_43 = arith.constant 2 : i32
      %eq3A_44 = arith.constant 0 : i32
      %eq3A_45 = arith.cmpi eq, %jit3A_43, %eq3A_44 : i32
      %jit3A_46 = arith.constant 1 : i32
      %select_n3A_47 = arith.select %eq3A_45, %jit3A_46, %jit3A_43 : i32
      %rem3A = arith.remsi %sub3A_42, %select_n3A_47 : i32
      %ne3A = arith.constant 0 : i32
      %ne3A_48 = arith.cmpi ne, %rem3A, %ne3A : i32
      %lt3A_49 = arith.constant 0 : i32
      %lt3A_50 = arith.cmpi slt, %rem3A, %lt3A_49 : i32
      %lt3A_51 = arith.constant 0 : i32
      %lt3A_52 = arith.cmpi slt, %select_n3A_47, %lt3A_51 : i32
      %ne3A_53 = arith.xori %lt3A_50, %lt3A_52 : i1
      %and3A = arith.andi %ne3A_53, %ne3A_48 : i1
      %add3A_54 = arith.addi %rem3A, %select_n3A_47 : i32
      %select_n3A_55 = arith.select %and3A, %add3A_54, %rem3A : i32
      %sub3A_56 = arith.subi %sub3A_38, %select_n3A_55 : i32
      %mul3A_57 = arith.constant 384 : i32
      %mul3A_58 = arith.muli %sub3A_56, %mul3A_57 : i32
      %add3A_59 = arith.addi %mul3A_10, %mul3A_58 : i32
      %dma_wait3A = arith.constant 0 : i32
      %dma_wait3A_60 = tpu.memref_slice %arg4[%add3A_59, %dma_wait3A] : memref<500000x128xf32, #tpu.memory_space<hbm>> -> memref<384x128xf32, #tpu.memory_space<hbm>>
      %dma_wait3A_61 = arith.constant 0 : i32
      %dma_wait3A_62 = tpu.memref_slice %arg4[%add3A_59, %dma_wait3A_61] : memref<500000x128xf32, #tpu.memory_space<hbm>> -> memref<384x128xf32, #tpu.memory_space<hbm>>
      tpu.wait_dma2 semaphore(%arg12 : memref<!tpu.dma_semaphore, #tpu.memory_space<semaphore_mem>>) src(%arg7 : memref<384x128xf32, #tpu.memory_space<vmem>>) dst(%dma_wait3A_62 : memref<384x128xf32, #tpu.memory_space<hbm>>)
    } else {
    }
    %eq3A_32 = arith.constant 31 : i32
    %eq3A_33 = arith.cmpi eq, %add3A, %eq3A_32 : i32
    %convert_element_type3A_34 = arith.extui %eq3A_33 : i1 to i32
    %cond3A_35 = arith.constant 0 : i32
    %cond3A_36 = arith.cmpi ne, %convert_element_type3A_34, %cond3A_35 : i32
    scf.if %cond3A_36 {
      %sub3A_37 = arith.constant 499968 : i32
      %sub3A_38 = arith.subi %sub3A_37, %min3A_12 : i32
      %add3A_39 = arith.constant 0 : i32
      %add3A_40 = arith.addi %sub3A_38, %add3A_39 : i32
      %dma_start3A = arith.constant 0 : i32
      %dma_start3A_41 = arith.constant 0 : i32
      %dma_start3A_42 = tpu.memref_slice %arg6[%dma_start3A, %dma_start3A_41] : memref<384x128xf32, #tpu.memory_space<vmem>> -> memref<32x128xf32, #tpu.memory_space<vmem>>
      %dma_start3A_43 = tpu.memref_slice %arg5[%add3A_40] : memref<16128xi32, #tpu.memory_space<vmem>> -> memref<32xi32, #tpu.memory_space<vmem>>
      %dma_start3A_44 = arith.constant 0 : i32
      %dma_start3A_45 = arith.constant 0 : i32
      %dma_start3A_46 = tpu.memref_slice %arg8[%dma_start3A_44, %dma_start3A_45] : memref<88x128xf32, #tpu.memory_space<vmem_shared>> -> memref<88x128xf32, #tpu.memory_space<vmem_shared>>
      tpu.enqueue_indirect_dma source(%dma_start3A_46 : memref<88x128xf32, #tpu.memory_space<vmem_shared>>) target(%dma_start3A_42 : memref<32x128xf32, #tpu.memory_space<vmem>>) offsets(%dma_start3A_43 : memref<32xi32, #tpu.memory_space<vmem>>) semaphore(%arg9 : memref<!tpu.dma_semaphore, #tpu.memory_space<semaphore_mem>>)
      %add3A_47 = arith.constant 0 : i32
      %add3A_48 = arith.addi %sub3A_38, %add3A_47 : i32
      %dma_wait3A = arith.constant 0 : i32
      %dma_wait3A_49 = arith.constant 0 : i32
      %dma_wait3A_50 = tpu.memref_slice %arg6[%dma_wait3A, %dma_wait3A_49] : memref<384x128xf32, #tpu.memory_space<vmem>> -> memref<32x128xf32, #tpu.memory_space<vmem>>
      %dma_wait3A_51 = tpu.memref_slice %arg5[%add3A_48] : memref<16128xi32, #tpu.memory_space<vmem>> -> memref<32xi32, #tpu.memory_space<vmem>>
      %dma_wait3A_52 = arith.constant 0 : i32
      %dma_wait3A_53 = arith.constant 0 : i32
      %dma_wait3A_54 = tpu.memref_slice %arg8[%dma_wait3A_52, %dma_wait3A_53] : memref<88x128xf32, #tpu.memory_space<vmem_shared>> -> memref<88x128xf32, #tpu.memory_space<vmem_shared>>
      tpu.wait_indirect_dma semaphore(%arg9 : memref<!tpu.dma_semaphore, #tpu.memory_space<semaphore_mem>>) src(%dma_wait3A_54 : memref<88x128xf32, #tpu.memory_space<vmem_shared>>) dst(%dma_wait3A_50 : memref<32x128xf32, #tpu.memory_space<vmem>>)
      "tpu.region"() ({
        %run_scoped3A = tpu.sem_alloc : memref<!tpu.dma_semaphore, #tpu.memory_space<semaphore_mem>>
        %dma_start3A_55 = arith.constant 0 : i32
        %dma_start3A_56 = arith.constant 0 : i32
        %dma_start3A_57 = tpu.memref_slice %arg6[%dma_start3A_55, %dma_start3A_56] : memref<384x128xf32, #tpu.memory_space<vmem>> -> memref<32x128xf32, #tpu.memory_space<vmem>>
        %dma_start3A_58 = arith.constant 499968 : i32
        %dma_start3A_59 = arith.constant 0 : i32
        %dma_start3A_60 = tpu.memref_slice %arg4[%dma_start3A_58, %dma_start3A_59] : memref<500000x128xf32, #tpu.memory_space<hbm>> -> memref<32x128xf32, #tpu.memory_space<hbm>>
        %dma_start3A_61 = arith.constant 499968 : i32
        %dma_start3A_62 = arith.constant 0 : i32
        %dma_start3A_63 = tpu.memref_slice %arg4[%dma_start3A_61, %dma_start3A_62] : memref<500000x128xf32, #tpu.memory_space<hbm>> -> memref<32x128xf32, #tpu.memory_space<hbm>>
        %dma_start3A_64 = arith.constant 0 : i32
        %dma_start3A_65 = arith.constant 0 : i32
        %dma_start3A_66 = tpu.memref_slice %arg6[%dma_start3A_64, %dma_start3A_65] : memref<384x128xf32, #tpu.memory_space<vmem>> -> memref<32x128xf32, #tpu.memory_space<vmem>>
        tpu.enqueue_dma source(%dma_start3A_66 : memref<32x128xf32, #tpu.memory_space<vmem>>) target(%dma_start3A_63 : memref<32x128xf32, #tpu.memory_space<hbm>>) target_semaphore(%run_scoped3A : memref<!tpu.dma_semaphore, #tpu.memory_space<semaphore_mem>>)
        %dma_wait3A_67 = arith.constant 0 : i32
        %dma_wait3A_68 = arith.constant 0 : i32
        %dma_wait3A_69 = tpu.memref_slice %arg6[%dma_wait3A_67, %dma_wait3A_68] : memref<384x128xf32, #tpu.memory_space<vmem>> -> memref<32x128xf32, #tpu.memory_space<vmem>>
        %dma_wait3A_70 = arith.constant 499968 : i32
        %dma_wait3A_71 = arith.constant 0 : i32
        %dma_wait3A_72 = tpu.memref_slice %arg4[%dma_wait3A_70, %dma_wait3A_71] : memref<500000x128xf32, #tpu.memory_space<hbm>> -> memref<32x128xf32, #tpu.memory_space<hbm>>
        %dma_wait3A_73 = arith.constant 499968 : i32
        %dma_wait3A_74 = arith.constant 0 : i32
        %dma_wait3A_75 = tpu.memref_slice %arg4[%dma_wait3A_73, %dma_wait3A_74] : memref<500000x128xf32, #tpu.memory_space<hbm>> -> memref<32x128xf32, #tpu.memory_space<hbm>>
        %dma_wait3A_76 = arith.constant 0 : i32
        %dma_wait3A_77 = arith.constant 0 : i32
        %dma_wait3A_78 = tpu.memref_slice %arg6[%dma_wait3A_76, %dma_wait3A_77] : memref<384x128xf32, #tpu.memory_space<vmem>> -> memref<32x128xf32, #tpu.memory_space<vmem>>
        tpu.wait_dma2 semaphore(%run_scoped3A : memref<!tpu.dma_semaphore, #tpu.memory_space<semaphore_mem>>) src(%dma_wait3A_78 : memref<32x128xf32, #tpu.memory_space<vmem>>) dst(%dma_wait3A_75 : memref<32x128xf32, #tpu.memory_space<hbm>>)
        tpu.yield
      }) : () -> ()
    } else {
    }
    return
  }
}

module attributes {stable_mosaic.version = 14 : i64} {
  func.func @_combine_body(%arg0: memref<88x128xf32, #tpu.memory_space<vmem>>, %arg1: memref<128x128xf32, #tpu.memory_space<vmem>>, %arg2: memref<88x128xf32, #tpu.memory_space<vmem>>, %arg3: memref<88x128xf32, #tpu.memory_space<vmem>>) attributes {dimension_semantics = [], scalar_prefetch = 0 : i64, scratch_operands = 0 : i64, tpu.core_type = #tpu.core_type<tc>} {
    %get3A = arith.constant 0 : index
    %get3A_0 = arith.constant 0 : index
    %get3A_1 = vector.load %arg0[%get3A, %get3A_0] : memref<88x128xf32, #tpu.memory_space<vmem>>, vector<88x128xf32>
    %get3A_2 = arith.constant 0 : index
    %get3A_3 = arith.constant 0 : index
    %get3A_4 = vector.load %arg1[%get3A_2, %get3A_3] : memref<128x128xf32, #tpu.memory_space<vmem>>, vector<128x128xf32>
    %dot_general3A = arith.constant dense<0.000000e+00> : vector<88x128xf32>
    %dot_general3A_5 = tpu.matmul %get3A_1, %get3A_4, %dot_general3A {dimension_numbers = #tpu.dot_dimension_numbers<[1], [0], [0], [1], [0, 0, 1, 1], [], []>, transpose_lhs_hint = false} : vector<88x128xf32>, vector<128x128xf32>, vector<88x128xf32> -> vector<88x128xf32>
    %get3A_6 = arith.constant 0 : index
    %get3A_7 = arith.constant 0 : index
    %get3A_8 = vector.load %arg2[%get3A_6, %get3A_7] : memref<88x128xf32, #tpu.memory_space<vmem>>, vector<88x128xf32>
    %add3A = arith.addf %dot_general3A_5, %get3A_8 : vector<88x128xf32>
    %swap3A = arith.constant 0 : index
    %swap3A_9 = arith.constant 0 : index
    %swap3A_10 = vector.load %arg3[%swap3A, %swap3A_9] : memref<88x128xf32, #tpu.memory_space<vmem>>, vector<88x128xf32>
    tpu.vector_store %arg3[%swap3A, %swap3A_9], %add3A {strides = array<i32>} : memref<88x128xf32, #tpu.memory_space<vmem>>, vector<88x128xf32>,
    return
  }
}

</mosaic_0001>

<sc_bundles>
// kernel: kernel.4.cloned.1.call-start
scs
__scs_entry_jumppad:
0x0: {  	(pc) =	sbr.rel $0x88, $3  }
0x1: {  	(tag) =	ssettag $0x0;
	lr =	simm.s32 $0x1  }
0x2: {  	[smem:$0x3F9D] =	sst lr;
	_ =	strace $0xD0000000  }
0x3: {  	_ = 	snop  }
0x4: {  	_ = 	snop  }
0x5: {  	_ = 	snop  }
0x6: {  	_ = 	snop  }
0x7: {  	_ = 	snop  }
__scs_overlays_trampoline_lowered:
0x8: {  	[smem:$0x3FAC] =	sst s0  }
0x9: {  	[smem:$0x3FAD] =	sst s1  }
0xa: {  	[smem:$0x3FAE] =	sst s2  }
0xb: {  	[smem:$0x3FAF] =	sst s3  }
0xc: {  	[smem:$0x3FB0] =	sst s4  }
0xd: {  	[smem:$0x3FB1] =	sst s5  }
0xe: {  	[smem:$0x3FB2] =	sst s6  }
0xf: {  	[smem:$0x3FB3] =	sst s7  }
0x10: {  	[smem:$0x3FB4] =	sst s8  }
0x11: {  	[smem:$0x3FB5] =	sst s9;
	s0 =	simm.s32 @!p0 $0x0  }
0x12: {  	s1 =	sld [smem:$0x3F9B];
	s0 =	simm.s32 @p0 $0x1  }
0x13: {  	[smem:$0x3FB6] =	sst s0;
	s0 =	simm.s32 @!p1 $0x0  }
0x14: {  	s2 =	sld [smem:$0x3F9A];
	s0 =	simm.s32 @p1 $0x1  }
0x15: {  	[smem:$0x3FB7] =	sst s0;
	s0 =	simm.s32 @!p2 $0x0  }
0x16: {  	s3 =	sld [smem:$0x3FDB];
	s0 =	simm.s32 @p2 $0x1  }
0x17: {  	s4 =	simm.s32 $0x1BF5;
	[smem:$0x3FB9] =	sst s0  }
0x18: {  	s0 =	sld [smem:$0x3F9C];
	_ =	swait.ge [sflag:s4], $0x0  }
0x19: {  	s7 =	sld [smem:$0x3F9D]  }
0x1a: {  	s8 =	sadd.s32 $0xFFFFE003, lr  }
0x1b: {  	s9 =	sadd.s32 $0xFFFFFEF7, lr;
	s5 =	simm.s32 $0xFFFFFFFF;
	p2 =	slt.u32 s8, $0xFFFFF086  }
0x1c: {  	p1 =	slt.u32 s9, $0xF7A;
	s5 =	simm.s32 @!p2 $0x0  }
0x1d: {  	s5 =	simm.s32 @p1 $0x1;
	p0 =	seq.s32 s7, s2  }
0x1e: {  	s7 =	smul.u32 @!p0 $0xF7A, s2;
	p2 =	seq.s32 @!p0 s5, $0x0  }
0x1f: {  	s9 =	smul.u32 $0xF7A, s1;
	s8 =	simm.s32 @!p0 $0x1BF5;
	p2 =	por !p2, p0  }
0x20: {  	[sflag:s8] =	ssyncset.s32 @!p0 $0xFFFFF086;
	s6 =	sadd.s32 @!p0 s3, s7;
	s7 =	simm.s32 @!p0 $0x108  }
0x21: {  	s3 =	sadd.s32 s3, s9;
	s6 =	sadd.s32 @!p0 $0x88, s6;
	s7 =	simm.s32 @p2 $0x1082  }
0x22: {  	[simem:s7], [sflag:s8] =	dma.local @!p0 [hbm:s6], $0xF7A  }
0x23: {  	s9 =	sor.u32 $0xD0000000, s2;
	s6 =	simm.s32 $0x108;
	_ =	swait.ge @!p0 [sflag:s8], $0x0  }
0x24: {  	s3 =	sadd.s32 $0x88, s3;
	s6 =	simm.s32 @!p1 $0x1082;
	[sflag:s4] =	ssyncset.s32 $0xFFFFF086  }
0x25: {  	[simem:s6], [sflag:s4] =	dma.local [hbm:s3], $0xF7A  }
0x26: {  	[smem:$0x3F9D] =	sst s1;
	(tag) =	ssettag s2;
	_ =	strace s9  }
0x27: {  	s1 =	sld [smem:$0x3FAD]  }
0x28: {  	s2 =	sld [smem:$0x3FAE]  }
0x29: {  	s4 =	sld [smem:$0x3FB0]  }
0x2a: {  	p0 =	seq.s32 s5, $0x0;
	s5 =	sld [smem:$0x3FB1]  }
0x2b: {  	s6 =	sld [smem:$0x3FB2]  }
0x2c: {  	s7 =	sld [smem:$0x3FB3]  }
0x2d: {  	s3 =	simm.s32 $0x108;
	s8 =	sld [smem:$0x3FB4]  }
0x2e: {  	s3 =	simm.s32 @!p0 $0x1082;
	s9 =	sld [smem:$0x3FB5]  }
0x2f: {  	lr =	sadd.s32 s0, s3;
	s0 =	sld [smem:$0x3FAC]  }
0x30: {  	s3 =	sld [smem:$0x3FAF]  }
0x31: {  	[smem:$0x3FB8] =	sst s10  }
0x32: {  	s10 =	sld [smem:$0x3FB6];
	_ =	sdelay $0x3  }
0x33: {  	p0 =	seq.s32 s10, $0x1;
	s10 =	sld [smem:$0x3FB8];
	_ =	sdelay $0x3  }
0x34: {  	[smem:$0x3FB8] =	sst s10  }
0x35: {  	s10 =	sld [smem:$0x3FB7];
	_ =	sdelay $0x3  }
0x36: {  	p1 =	seq.s32 s10, $0x1;
	s10 =	sld [smem:$0x3FB8];
	_ =	sdelay $0x3  }
0x37: {  	[smem:$0x3FB8] =	sst s10  }
0x38: {  	s10 =	sld [smem:$0x3FB9]  }
0x39: {  	_ = 	snop;
	(pc) =	sbr.ind lr, $3  }
0x3a: {  	_ = 	snop  }
0x3b: {  	_ = 	snop  }
0x3c: {  	p2 =	seq.s32 s10, $0x1;
	s10 =	sld [smem:$0x3FB8]  }
0x3d: {  	_ =	shalt  }
0x3e: {  	_ =	shalt  }
0x3f: {  	_ =	shalt  }
0x40: {  	_ =	shalt  }
0x41: {  	_ =	shalt  }
0x42: {  	_ =	shalt  }
0x43: {  	_ =	shalt  }
0x44: {  	_ =	shalt  }
0x45: {  	_ =	shalt  }
0x46: {  	_ =	shalt  }
0x47: {  	_ =	shalt  }
0x48: {  	_ =	shalt  }
0x49: {  	_ =	shalt  }
0x4a: {  	_ =	shalt  }
0x4b: {  	_ =	shalt  }
0x4c: {  	_ =	shalt  }
0x4d: {  	_ =	shalt  }
0x4e: {  	_ =	shalt  }
0x4f: {  	_ =	shalt  }
0x50: {  	_ =	shalt  }
0x51: {  	_ =	shalt  }
0x52: {  	_ =	shalt  }
0x53: {  	_ =	shalt  }
0x54: {  	_ =	shalt  }
0x55: {  	_ =	shalt  }
0x56: {  	_ =	shalt  }
0x57: {  	_ =	shalt  }
0x58: {  	_ =	shalt  }
0x59: {  	_ =	shalt  }
0x5a: {  	_ =	shalt  }
0x5b: {  	_ =	shalt  }
0x5c: {  	_ =	shalt  }
0x5d: {  	_ =	shalt  }
0x5e: {  	_ =	shalt  }
0x5f: {  	_ =	shalt  }
0x60: {  	_ =	shalt  }
0x61: {  	_ =	shalt  }
0x62: {  	_ =	shalt  }
0x63: {  	_ =	shalt  }
0x64: {  	_ =	shalt  }
0x65: {  	_ =	shalt  }
0x66: {  	_ =	shalt  }
0x67: {  	_ =	shalt  }
0x68: {  	_ =	shalt  }
0x69: {  	_ =	shalt  }
0x6a: {  	_ =	shalt  }
0x6b: {  	_ =	shalt  }
0x6c: {  	_ =	shalt  }
0x6d: {  	_ =	shalt  }
0x6e: {  	_ =	shalt  }
0x6f: {  	_ =	shalt  }
0x70: {  	_ =	shalt  }
0x71: {  	_ =	shalt  }
0x72: {  	_ =	shalt  }
0x73: {  	_ =	shalt  }
0x74: {  	_ =	shalt  }
0x75: {  	_ =	shalt  }
0x76: {  	_ =	shalt  }
0x77: {  	_ =	shalt  }
0x78: {  	_ =	shalt  }
0x79: {  	_ =	shalt  }
0x7a: {  	_ =	shalt  }
0x7b: {  	_ =	shalt  }
0x7c: {  	_ =	shalt  }
0x7d: {  	_ =	shalt  }
0x7e: {  	_ =	shalt  }
0x7f: {  	_ =	shalt  }
0x80: {  	_ =	shalt  }
0x81: {  	_ =	shalt  }
0x82: {  	_ =	shalt  }
0x83: {  	_ =	shalt  }
0x84: {  	_ =	shalt  }
0x85: {  	_ =	shalt  }
0x86: {  	_ =	shalt  }
0x87: {  	_ =	shalt  }
.Lfunc_end0:
.L_simem_size_0:
called_computation_lowered:
.L_overlay_start_0:
0x88: {  	s2 =	sld [smem:$0x3FD9]  }
0x89: {  	s3 =	sld [smem:$0x3FFE];
	_ =	sdelay $0x1  }
0x8a: {  	s1 =	srdreg.scid  }
0x8b: {  	s0 =	sand.u32 $0x1, s1  }
0x8c: {  	s17 =	sshll.u32 s0, $0xA;
	s2 =	sadd.s32 s3, s2  }
0x8d: {  	s2 =	sadd.s32 s2, s17  }
0x8e: {  	[smem:$0x3FC4] =	sst s2  }
0x8f: {  	_ = 	snop  }
0x90: {  	s2 =	sld [smem:$0x3FC9]  }
0x91: {  	s18 =	sld [smem:$0x3FD0];
	(tm) =	ssettm $0x1  }
0x92: {  	s4 =	sld [smem:$0x3FFB];
	_ =	sdelay $0x3  }
0x93: {  	_ =	strace s4  }
0x94: {  	s4 =	sld [smem:$0x3FFC];
	_ =	sdelay $0x3  }
0x95: {  	_ =	strace s4  }
0x96: {  	s4 =	sld [smem:$0x3FFD];
	_ =	sdelay $0x3  }
0x97: {  	_ =	strace s4  }
0x98: {  	_ =	strace $0x8FFFFFFF  }
0x99: {  	s19 =	sld [smem:$0x3FDB];
	_ =	sdelay $0x1  }
0x9a: {  	s5 =	simm.s32 $_scs_section_size  }
0x9b: {  	s6 =	simm.s32 $_size__tile_overlayer_lowered;
	s7 =	simm.s32 $_tile_overlayer_lowered  }
0x9c: {  	s22 =	simm.s32 $0x1BFF;
	s21 =	sshll.u32 s7, $0x1;
	s4 =	sadd.s32 s5, s19  }
0x9d: {  	s8 =	simm.s32 $0x0;
	s20 =	sshll.u32 s6, $0x1;
	s6 =	sadd.s32 s21, s4  }
0x9e: {  	[timem:s8], [sflag:s22] =	dma.local [hbm:s6], s20  }
0x9f: {  	_ =	swait.ge [sflag:s22], s20  }
0xa0: {  	s5 =	ssub.s32 $0x0, s20;
	[sflag:s22] =	ssyncset.done $0x0  }
0xa1: {  	[sflag:s22] =	ssyncadd.s32 s5;
	_ =	sdelay $0x1  }
0xa2: {  	s23 =	simm.s32 $0x1B8B  }
0xa3: {  	_ =	swait.ge [sflag:s23], $0x1  }
0xa4: {  	[sflag:s23] =	ssyncset.done $0x0  }
0xa5: {  	s25 =	simm.s32 $0x1B8E;
	s24 =	sld [smem:$0x3FFE];
	[sflag:s23] =	ssyncadd.s32 $0xFFFFFFFF  }
0xa6: {  	s26 =	simm.s32 $execute0_lowered;
	[smem:$0x3FD2] =	sst s25  }
0xa7: {  	s6 =	sshll.u32 s26, $0x1;
	_ =	strace $0x80000046;
	[dreg:$0x1] =	wrdreg $0xFFFFFFFF  }
0xa8: {  	s28 =	simm.s32 $_size_execute0_lowered;
	s4 =	sadd.s32 s4, s6;
	[dreg:$0x0] =	wrdreg $0x0  }
0xa9: {  	s6 =	sshll.u32 s28, $0x1;
	[dreg:$0x2] =	wrdreg s4  }
0xaa: {  	[dreg:$0x3] =	wrdreg s6  }
0xab: {  	[dreg:$0x4] =	wrdreg $0xC0  }
0xac: {  	_ =	task [dreg:s8], $0x5FFFF  }
0xad: {  	[dreg:$0x1] =	wrdreg $0xFFFFFFFF  }
0xae: {  	[dreg:$0x0] =	wrdreg $0x60  }
0xaf: {  	[dreg:$0x2] =	wrdreg s24  }
0xb0: {  	[dreg:$0x3] =	wrdreg s2  }
0xb1: {  	[dreg:$0x4] =	wrdreg s18  }
0xb2: {  	[dreg:$0x5] =	wrdreg $0x1BF000  }
0xb3: {  	[dreg:$0x6] =	wrdreg $0x9  }
0xb4: {  	_ =	task.clear_ibuf [dreg:s8], $0x7FFFF;
	_ =	strace $0x90000046  }
0xb5: {  	s29 =	simm.s32 $0x9;
	_ =	strace $0x80000048  }
0xb6: {  	_ =	swait.ge [sflag:s29], $0x1  }
0xb7: {  	[sflag:s29] =	ssyncadd.s32 $0xFFFFFFFF  }
0xb8: {  	_ =	strace $0x90000048  }
0xb9: {  	_ =	sfence  }
0xba: {  	s30 =	sld [smem:$0x0];
	_ =	sdelay $0x2  }
0xbb: {  	s31 =	sshll.u32 s1, $0xD;
	s1 =	sshrl.u32 s1, $0x2  }
0xbc: {  	s3 =	sand.u32 $0x4000, s31;
	s1 =	sadd.s32 s1, s30  }
0xbd: {  	s0 =	sor.u32 s3, s0;
	s1 =	sshll.u32 s1, $0x11  }
0xbe: {  	s0 =	sor.u32 s1, s0  }
0xbf: {  	s0 =	sadd.s32 $0x8F2B, s0  }
0xc0: {  	[sflag:s0] =	ssyncadd.remote.s32 $0x1  }
0xc1: {  	_ =	sfence.sel $0xFFFF  }
0xc2: {  	[dreg:$0x0] =	wrdreg $0xFFFFFFFF;
	(pc) =	sbr.abs _section_cstart, $3  }
0xc3: {  	[dreg:$0x1] =	wrdreg $0xFFFFFFFF  }
0xc4: {  	_ =	task.clear_ibuf [dreg:s8], $0x2FFFF;
	_ =	strace $0x9FFFFFFF  }
0xc5: {  	(tm) =	ssettm $0x7FFFFFFF  }
tec
execute0_lowered:
.L_overlay_start_1:
0x0: {  	(tag) =	ssettag $0x1  }
0x1: {  	s3 =	rddreg [dreg:$0x0]  }
0x2: {  	s1 =	srdreg.scid;
	s6 =	rddreg [dreg:$0x1]  }
0x3: {  	s0 =	stileid.u32;
	s8 =	rddreg [dreg:$0x2];
	s2 =	simm.s32 $0x0  }
0x4: {  	s12 =	simm.s32 $0x29;
	s28 =	simm.s32 $0x1;
	s29 =	simm.s32 $0xFF00  }
0x5: {  	s30 =	simm.s32 $0x13F00;
	s5 =	sand.u32 $0x1, s1;
	s1 =	rddreg [dreg:$0x3]  }
0x6: {  	s31 =	simm.s32 $0x17F00;
	s24 =	sshll.u32 s0, $0x1;
	[smem:$0x7FF] =	sst s2  }
0x7: {  	s3 =	sadd.s32 $0x600, s3;
	p0 =	slt.u32 s0, $0xB;
	s18 =	smul.u32 $0x50, s0  }
0x8: {  	s17 =	sadd.s32 $0x7A1000, s8;
	s21 =	smul.u32 $0x78000, s0;
	p1 =	sgt.u32 s0, $0xA  }
0x9: {  	s7 =	sor.u32 s5, s24;
	s25 =	ssub.s32 $0x2, s5;
	s19 =	smul.u32 $0x28, s5  }
0xa: {  	_ =	strace $0x80000047;
	[dreg:$0x7] =	wrdreg s3;
	s5 =	smul.u32 $0x3C000, s5  }
0xb: {  	s12 =	simm.s32 @!p0 $0x28;
	[dreg:$0xc] =	wrdreg s17;
	s4 =	smul.u32 $0x28, s7  }
0xc: {  	p0 =	sne.s32 s0, $0x0;
	s0 =	simm.s32 $0x2;
	s9 =	smin.u32 s7, $0x16  }
0xd: {  	s26 =	sshrl.u32 s25, $0x1;
	[dreg:$0x6] =	wrdreg s12;
	s10 =	sadd.s32 s9, s4  }
0xe: {  	p2 =	sne.s32 s7, $0x1F;
	s3 =	ssub.s32 s25, s26;
	s11 =	smul.u32 $0x180, s10  }
0xf: {  	s3 =	smax.u32 s3, $0x1;
	s15 =	smul.u32 $0x1800, s10;
	s10 =	sadd.s32 s18, s9  }
0x10: {  	[dreg:$0xd] =	wrdreg s3;
	s9 =	smul.u32 $0x1800, s9;
	s3 =	sadd.s32 s19, s10  }
0x11: {  	s5 =	sadd.s32 s5, s21;
	s13 =	smin.u32 s11, $0x76220;
	s25 =	smul.u32 $0x180, s3  }
0x12: {  	s3 =	smul.u32 $0x600, s3;
	s5 =	sadd.s32 s9, s5;
	s14 =	sshrl.u32 s13, $0x3  }
0x13: {  	s4 =	ssub.s32 s11, s13;
	s16 =	ssub.s32 $0x7A100, s13;
	[dreg:$0x5] =	wrdreg s5  }
0x14: {  	s11 =	sadd.s32 s8, s15;
	s6 =	sadd.s32 s6, s14;
	[dreg:$0xb] =	wrdreg s16  }
0x15: {  	s5 =	simm.s32 $0x4;
	s12 =	sadd.s32 $0x80, s4;
	[dreg:$0x8] =	wrdreg s6  }
0x16: {  	s14 =	sadd.s32 $0x100, s4;
	s20 =	sadd.s32 $0x180, s4;
	[dreg:$0x9] =	wrdreg s12  }
0x17: {  	s22 =	sadd.s32 $0x200, s4;
	s23 =	sadd.s32 $0x280, s4;
	[dreg:$0xa] =	wrdreg s14  }
0x18: {  	s24 =	sadd.s32 $0x1800, s11;
	s16 =	sadd.s32 $0x300, s4;
	[dreg:$0xe] =	wrdreg s20  }
0x19: {  	s17 =	sadd.s32 $0x380, s4;
	s26 =	smin.u32 s25, $0x76220;
	[dreg:$0xf] =	wrdreg s22  }
0x1a: {  	s18 =	sadd.s32 $0x400, s4;
	s19 =	sadd.s32 $0x3C000, s11;
	[dreg:$0x10] =	wrdreg s23  }
0x1b: {  	s25 =	simm.s32 $0x7F00;
	[dreg:$0x11] =	wrdreg s24;
	s6 =	sshll.u32 s26, $0x2  }
0x1c: {  	s20 =	sadd.s32 $0x4800, s8;
	s22 =	simm.s32 $0x5;
	s23 =	simm.s32 $0x80  }
0x1d: {  	s24 =	simm.s32 $0x3F00;
	s26 =	simm.s32 $0xBF00;
	s3 =	ssub.s32 s3, s6  }
0x1e: {  	s6 =	simm.s32 $0x0;
	s21 =	sshra.s32 s3, $0x2;
	s3 =	simm.s32 $0x3  }
.LBB2_1:
0x1f: {  	s7 =	sshrl.u32 @!p0 s1, $0x3;
	s8 =	simm.s32 @!p0 $0x1C05;
	s9 =	rddreg [dreg:$0x7]  }
0x20: {  	[spmem:s7], [sflag:s8] =	dma.local @!p0 [hbm:s9], $0x580  }
0x21: {  	s7 =	simm.s32 @!p0 $0x5  }
0x22: {  	_ =	swait.ge @!p0 [sflag:s7], $0x580  }
0x23: {  	[sflag:s7] =	ssyncset.done @!p0 $0x0  }
0x24: {  	[sflag:s7] =	ssyncadd.s32 @!p0 $0xFFFFFA80  }
0x25: {  	[bflag:$0x0] =	sbarrier.arrive $0xFFFF  }
0x26: {  	s9 =	rddreg [dreg:$0x8]  }
0x27: {  	[tilespmem:s2], [sflag:$0x5] =	stream.linear.gather [hbm4b:s9+s2], $0x3F00, $0x38;
	[tilespmem:$0x1C1C0] =	vst v63  }
0x28: {  	_ =	swait.ge [sflag:s22], $0x3F00  }
0x29: {  	[sflag:s22] =	ssyncset.done $0x0  }
0x2a: {  	[sflag:s22] =	ssyncadd.s32 $0xFFFFC100  }
0x2b: {  	[tilespmem:s24], [sflag:$0x1] =	stream.indirect.gather [spmem:s1], $0x80, s4, s23, $0xb8;
	[tilespmem:$0x1C1C0] =	vst v63  }
0x2c: {  	s10 =	rddreg [dreg:$0x9]  }
0x2d: {  	[tilespmem:s25], [sflag:$0x1] =	stream.indirect.gather [spmem:s1], $0x80, s10, s23, $0xb8;
	[tilespmem:$0x1C1C0] =	vst v63  }
0x2e: {  	s12 =	rddreg [dreg:$0xa]  }
0x2f: {  	[tilespmem:s26], [sflag:$0x1] =	stream.indirect.gather [spmem:s1], $0x80, s12, s23, $0xb8;
	[tilespmem:$0x1C1C0] =	vst v63  }
0x30: {  	_ =	swait.ge [sflag:s28], $0x4000  }
0x31: {  	[sflag:s28] =	ssyncset.done $0x0  }
0x32: {  	[sflag:s28] =	ssyncadd.s32 $0xFFFFC000  }
0x33: {  	_ =	swait.ge [sflag:s28], $0x4000  }
0x34: {  	[sflag:s28] =	ssyncset.done $0x0  }
0x35: {  	[sflag:s28] =	ssyncadd.s32 $0xFFFFC000  }
0x36: {  	_ =	swait.ge [sflag:s28], $0x4000  }
0x37: {  	[sflag:s28] =	ssyncset.done $0x0  }
0x38: {  	[sflag:s28] =	ssyncadd.s32 $0xFFFFC000  }
0x39: {  	[hbm4b:s11+s2] =	stream.linear.scatter [tilespmem:s24], [sflag:$0x3], $0xC000, $0x38;
	[tilespmem:$0x1C1C0] =	vst v63  }
0x3a: {  	s13 =	rddreg [dreg:$0xe]  }
0x3b: {  	[tilespmem:s29], [sflag:$0x2] =	stream.indirect.gather [spmem:s1], $0x80, s13, s23, $0xb8;
	[tilespmem:$0x1C1C0] =	vst v63  }
0x3c: {  	s14 =	rddreg [dreg:$0xf]  }
0x3d: {  	[tilespmem:s30], [sflag:$0x2] =	stream.indirect.gather [spmem:s1], $0x80, s14, s23, $0xb8;
	[tilespmem:$0x1C1C0] =	vst v63  }
0x3e: {  	s15 =	rddreg [dreg:$0x10]  }
0x3f: {  	[tilespmem:s31], [sflag:$0x2] =	stream.indirect.gather [spmem:s1], $0x80, s15, s23, $0xb8;
	[tilespmem:$0x1C1C0] =	vst v63  }
0x40: {  	_ =	swait.ge [sflag:s0], $0x4000  }
0x41: {  	[sflag:s0] =	ssyncset.done $0x0  }
0x42: {  	[sflag:s0] =	ssyncadd.s32 $0xFFFFC000  }
0x43: {  	_ =	swait.ge [sflag:s0], $0x4000  }
0x44: {  	[sflag:s0] =	ssyncset.done $0x0  }
0x45: {  	[sflag:s0] =	ssyncadd.s32 $0xFFFFC000  }
0x46: {  	_ =	swait.ge [sflag:s0], $0x4000  }
0x47: {  	[sflag:s0] =	ssyncset.done $0x0  }
0x48: {  	s8 =	rddreg [dreg:$0x11];
	[sflag:s0] =	ssyncadd.s32 $0xFFFFC000  }
0x49: {  	[hbm4b:s8+s2] =	stream.linear.scatter [tilespmem:s29], [sflag:$0x4], $0xC000, $0x38;
	[tilespmem:$0x1C1C0] =	vst v63  }
0x4a: {  	_ =	swait.ge [sflag:s3], $0xC000  }
0x4b: {  	[sflag:s3] =	ssyncset.done $0x0  }
0x4c: {  	[sflag:s3] =	ssyncadd.s32 $0xFFFF4000  }
0x4d: {  	[tilespmem:s24], [sflag:$0x1] =	stream.indirect.gather [spmem:s1], $0x80, s16, s23, $0xb8;
	[tilespmem:$0x1C1C0] =	vst v63  }
0x4e: {  	_ = 	snop  }
0x4f: {  	[tilespmem:s25], [sflag:$0x1] =	stream.indirect.gather [spmem:s1], $0x80, s17, s23, $0xb8;
	[tilespmem:$0x1C1C0] =	vst v63  }
0x50: {  	_ = 	snop  }
0x51: {  	[tilespmem:s26], [sflag:$0x1] =	stream.indirect.gather [spmem:s1], $0x80, s18, s23, $0xb8;
	[tilespmem:$0x1C1C0] =	vst v63  }
0x52: {  	_ =	swait.ge [sflag:s28], $0x4000  }
0x53: {  	[sflag:s28] =	ssyncset.done $0x0  }
0x54: {  	[sflag:s28] =	ssyncadd.s32 $0xFFFFC000  }
0x55: {  	_ =	swait.ge [sflag:s28], $0x4000  }
0x56: {  	[sflag:s28] =	ssyncset.done $0x0  }
0x57: {  	[sflag:s28] =	ssyncadd.s32 $0xFFFFC000  }
0x58: {  	_ =	swait.ge [sflag:s28], $0x4000  }
0x59: {  	s9 =	rddreg [dreg:$0x5]  }
0x5a: {  	[sflag:s28] =	ssyncset.done $0x0;
	s7 =	sadd.s32 s20, s9  }
0x5b: {  	[sflag:s28] =	ssyncadd.s32 $0xFFFFC000;
	s10 =	sadd.s32 $0xFFFFE800, s7  }
0x5c: {  	[hbm4b:s10+s2] =	stream.linear.scatter [tilespmem:s24], [sflag:$0x3], $0xC000, $0x38;
	[tilespmem:$0x1C1C0] =	vst v63  }
0x5d: {  	_ =	swait.ge [sflag:s5], $0xC000  }
0x5e: {  	s12 =	sadd.s32 $0x0, s21;
	[sflag:s5] =	ssyncset.done $0x0  }
0x5f: {  	s13 =	sadd.s32 $0x480, s12;
	[sflag:s5] =	ssyncadd.s32 $0xFFFF4000  }
0x60: {  	[tilespmem:s29], [sflag:$0x2] =	stream.indirect.gather [spmem:s1], $0x80, s13, s23, $0xb8;
	[tilespmem:$0x1C1C0] =	vst v63  }
0x61: {  	s14 =	sadd.s32 $0x500, s12  }
0x62: {  	[tilespmem:s30], [sflag:$0x2] =	stream.indirect.gather [spmem:s1], $0x80, s14, s23, $0xb8;
	[tilespmem:$0x1C1C0] =	vst v63  }
0x63: {  	s8 =	sadd.s32 $0x580, s12  }
0x64: {  	[tilespmem:s31], [sflag:$0x2] =	stream.indirect.gather [spmem:s1], $0x80, s8, s23, $0xb8;
	[tilespmem:$0x1C1C0] =	vst v63  }
0x65: {  	_ =	swait.ge [sflag:s0], $0x4000  }
0x66: {  	[sflag:s0] =	ssyncset.done $0x0  }
0x67: {  	[sflag:s0] =	ssyncadd.s32 $0xFFFFC000  }
0x68: {  	_ =	swait.ge [sflag:s0], $0x4000  }
0x69: {  	[sflag:s0] =	ssyncset.done $0x0  }
0x6a: {  	[sflag:s0] =	ssyncadd.s32 $0xFFFFC000  }
0x6b: {  	_ =	swait.ge [sflag:s0], $0x4000  }
0x6c: {  	[sflag:s0] =	ssyncset.done $0x0;
	s15 =	rddreg [dreg:$0x6]  }
0x6d: {  	[sflag:s0] =	ssyncadd.s32 $0xFFFFC000;
	p4 =	sle.u32 s15, $0x4  }
0x6e: {  	[hbm4b:s7+s2] =	stream.linear.scatter [tilespmem:s29], [sflag:$0x4], $0xC000, $0x38;
	[tilespmem:$0x1C1C0] =	vst v63  }
0x6f: {  	s7 =	simm.s32 @!p4 $0x3  }
0x70: {  	s8 =	sadd.s32 @!p4 $0x0, s21;
	_ =	swait.ge @!p4 [sflag:s7], $0xC000  }
0x71: {  	s12 =	simm.s32 @!p4 $0x3F00;
	s10 =	simm.s32 @!p4 $0x80;
	[sflag:s7] =	ssyncset.done @!p4 $0x0  }
0x72: {  	s13 =	simm.s32 @!p4 $0xBF00;
	s9 =	sadd.s32 @!p4 $0x600, s8;
	[sflag:s7] =	ssyncadd.s32 @!p4 $0xFFFF4000  }
0x73: {  	[tilespmem:s12], [sflag:$0x1] =	stream.indirect.gather @!p4 [spmem:s1], $0x80, s9, s10, $0xb8;
	[tilespmem:$0x1C1C0] =	vst v63  }
0x74: {  	s7 =	sadd.s32 @!p4 $0x680, s8;
	s9 =	simm.s32 @!p4 $0x7F00;
	s12 =	sadd.s32 @!p4 $0x700, s8  }
0x75: {  	[tilespmem:s9], [sflag:$0x1] =	stream.indirect.gather @!p4 [spmem:s1], $0x80, s7, s10, $0xb8;
	[tilespmem:$0x1C1C0] =	vst v63  }
0x76: {  	s8 =	sadd.s32 $0x3000, s20;
	s7 =	simm.s32 $0xC00;
	s9 =	simm.s32 $0x6  }
.LBB2_2:
0x77: {  	[tilespmem:s13], [sflag:$0x1] =	stream.indirect.gather @!p4 [spmem:s1], $0x80, s12, s10, $0xb8;
	[tilespmem:$0x1C1C0] =	vst v63  }
0x78: {  	_ =	swait.ge [sflag:s28], $0x4000  }
0x79: {  	[sflag:s28] =	ssyncset.done $0x0  }
0x7a: {  	[sflag:s28] =	ssyncadd.s32 $0xFFFFC000  }
0x7b: {  	_ =	swait.ge [sflag:s28], $0x4000  }
0x7c: {  	[sflag:s28] =	ssyncset.done $0x0  }
0x7d: {  	[sflag:s28] =	ssyncadd.s32 $0xFFFFC000  }
0x7e: {  	_ =	swait.ge [sflag:s28], $0x4000  }
0x7f: {  	s14 =	rddreg [dreg:$0x5]  }
0x80: {  	[sflag:s28] =	ssyncset.done $0x0;
	s12 =	sadd.s32 s8, s14  }
0x81: {  	s10 =	smov.u32 s7;
	[sflag:s28] =	ssyncadd.s32 $0xFFFFC000;
	s15 =	sadd.s32 $0xFFFFE800, s12  }
0x82: {  	[hbm4b:s15+s2] =	stream.linear.scatter [tilespmem:s24], [sflag:$0x3], $0xC000, $0x38;
	[tilespmem:$0x1C1C0] =	vst v63  }
0x83: {  	s14 =	sshra.s32 s10, $0x2;
	_ =	swait.ge [sflag:s5], $0xC000  }
0x84: {  	s13 =	sadd.s32 s14, s21;
	[sflag:s5] =	ssyncset.done $0x0  }
0x85: {  	s14 =	sadd.s32 $0x480, s13;
	[sflag:s5] =	ssyncadd.s32 $0xFFFF4000  }
0x86: {  	[tilespmem:s29], [sflag:$0x2] =	stream.indirect.gather [spmem:s1], $0x80, s14, s23, $0xb8;
	[tilespmem:$0x1C1C0] =	vst v63  }
0x87: {  	s15 =	sadd.s32 $0x500, s13  }
0x88: {  	[tilespmem:s30], [sflag:$0x2] =	stream.indirect.gather [spmem:s1], $0x80, s15, s23, $0xb8;
	[tilespmem:$0x1C1C0] =	vst v63  }
0x89: {  	s13 =	sadd.s32 $0x580, s13  }
0x8a: {  	[tilespmem:s31], [sflag:$0x2] =	stream.indirect.gather [spmem:s1], $0x80, s13, s23, $0xb8;
	[tilespmem:$0x1C1C0] =	vst v63  }
0x8b: {  	_ =	swait.ge [sflag:s0], $0x4000  }
0x8c: {  	[sflag:s0] =	ssyncset.done $0x0  }
0x8d: {  	[sflag:s0] =	ssyncadd.s32 $0xFFFFC000  }
0x8e: {  	_ =	swait.ge [sflag:s0], $0x4000  }
0x8f: {  	[sflag:s0] =	ssyncset.done $0x0  }
0x90: {  	[sflag:s0] =	ssyncadd.s32 $0xFFFFC000  }
0x91: {  	s7 =	sadd.s32 $0xC00, s7;
	_ =	swait.ge [sflag:s0], $0x4000  }
0x92: {  	p3 =	sne.s32 s7, $0xE400;
	[sflag:s0] =	ssyncset.done $0x0;
	s15 =	rddreg [dreg:$0x6]  }
0x93: {  	s8 =	sadd.s32 $0x3000, s8;
	[sflag:s0] =	ssyncadd.s32 $0xFFFFC000;
	p4 =	sge.u32 s9, s15  }
0x94: {  	[hbm4b:s12+s2] =	stream.linear.scatter [tilespmem:s29], [sflag:$0x4], $0xC000, $0x38;
	[tilespmem:$0x1C1C0] =	vst v63  }
0x95: {  	s9 =	sadd.s32 $0x2, s9;
	s12 =	simm.s32 @!p4 $0x3;
	s10 =	sshra.s32 @!p4 s10, $0x2  }
0x96: {  	s15 =	simm.s32 @!p4 $0x3F00;
	_ =	swait.ge @!p4 [sflag:s12], $0xC000;
	s13 =	sadd.s32 @!p4 s10, s21  }
.Ltmp0:
0x97: {  	s10 =	simm.s32 @!p4 $0x80;
	[sflag:s12] =	ssyncset.done @!p4 $0x0;
	(pc) =	sbr.rel @p3 .LBB2_2-.Ltmp0, $4  }
0x98: {  	s14 =	sadd.s32 @!p4 $0x600, s13;
	[sflag:s12] =	ssyncadd.s32 @!p4 $0xFFFF4000;
	s12 =	sadd.s32 @!p4 $0x700, s13  }
0x99: {  	[tilespmem:s15], [sflag:$0x1] =	stream.indirect.gather @!p4 [spmem:s1], $0x80, s14, s10, $0xb8;
	[tilespmem:$0x1C1C0] =	vst v63  }
0x9a: {  	s14 =	sadd.s32 @!p4 $0x680, s13;
	s15 =	simm.s32 @!p4 $0x7F00;
	s13 =	simm.s32 @!p4 $0xBF00  }
0x9b: {  	[tilespmem:s15], [sflag:$0x1] =	stream.indirect.gather @!p4 [spmem:s1], $0x80, s14, s10, $0xb8;
	[tilespmem:$0x1C1C0] =	vst v63  }
0x9c: {  	[tilespmem:s13], [sflag:$0x1] =	stream.indirect.gather @!p4 [spmem:s1], $0x80, s12, s10, $0xb8;
	[tilespmem:$0x1C1C0] =	vst v63  }
0x9d: {  	s7 =	simm.s32 @!p1 $0x1  }
0x9e: {  	_ =	swait.ge @!p1 [sflag:s7], $0x4000  }
0x9f: {  	[sflag:s7] =	ssyncset.done @!p1 $0x0  }
0xa0: {  	[sflag:s7] =	ssyncadd.s32 @!p1 $0xFFFFC000  }
0xa1: {  	_ =	swait.ge @!p1 [sflag:s7], $0x4000  }
0xa2: {  	[sflag:s7] =	ssyncset.done @!p1 $0x0  }
0xa3: {  	[sflag:s7] =	ssyncadd.s32 @!p1 $0xFFFFC000  }
0xa4: {  	_ =	swait.ge @!p1 [sflag:s7], $0x4000  }
0xa5: {  	[sflag:s7] =	ssyncset.done @!p1 $0x0  }
0xa6: {  	s8 =	simm.s32 @!p1 $0x3F00;
	[sflag:s7] =	ssyncadd.s32 @!p1 $0xFFFFC000;
	s7 =	simm.s32 @!p1 $0x0  }
0xa7: {  	[hbm4b:s19+s7] =	stream.linear.scatter @!p1 [tilespmem:s8], [sflag:$0x3], $0xC000, $0x38;
	[tilespmem:$0x1C1C0] =	vst v63  }
0xa8: {  	_ =	swait.ge [sflag:s3], $0xC000  }
0xa9: {  	[sflag:s3] =	ssyncset.done $0x0  }
0xaa: {  	[sflag:s3] =	ssyncadd.s32 $0xFFFF4000  }
0xab: {  	_ =	swait.ge [sflag:s5], $0xC000  }
0xac: {  	s7 =	simm.s32 @!p2 $0x20;
	[sflag:s5] =	ssyncset.done $0x0  }
0xad: {  	s8 =	simm.s32 @!p2 $0x3F00;
	s9 =	rddreg [dreg:$0xb];
	[sflag:s5] =	ssyncadd.s32 $0xFFFF4000  }
0xae: {  	[tilespmem:s8], [sflag:$0x1] =	stream.indirect.gather @!p2 [spmem:s1], $0x80, s9, s7, $0xb8;
	[tilespmem:$0x1C1C0] =	vst v63  }
0xaf: {  	s7 =	simm.s32 @!p2 $0x1  }
0xb0: {  	_ =	swait.ge @!p2 [sflag:s7], $0x1000  }
0xb1: {  	[sflag:s7] =	ssyncset.done @!p2 $0x0  }
0xb2: {  	s9 =	rddreg [dreg:$0xc];
	[sflag:s7] =	ssyncadd.s32 @!p2 $0xFFFFF000;
	s7 =	simm.s32 @!p2 $0x0  }
0xb3: {  	[hbm4b:s9+s7] =	stream.linear.scatter @!p2 [tilespmem:s8], [sflag:$0x5], $0x1000, $0x38;
	[tilespmem:$0x1C1C0] =	vst v63  }
0xb4: {  	s7 =	simm.s32 @!p2 $0x5  }
0xb5: {  	_ =	swait.ge @!p2 [sflag:s7], $0x1000  }
0xb6: {  	s6 =	sadd.s32 $0x1, s6;
	s15 =	rddreg [dreg:$0xd]  }
0xb7: {  	p3 =	sne.s32 s6, s15  }
.Ltmp1:
0xb8: {  	_ = 	snop;
	(pc) =	sbr.rel @p3 .LBB2_1-.Ltmp1, $3  }
0xb9: {  	_ =	sdelay $0x1  }
0xba: {  	[sflag:s7] =	ssyncset.done @!p2 $0x0  }
0xbb: {  	[sflag:s7] =	ssyncadd.s32 @!p2 $0xFFFFF000  }
0xbc: {  	_ =	sfence.sel $0x180000  }
0xbd: {  	[bflag:$0x0] =	sbarrier.arrive $0xFFFF  }
0xbe: {  	_ =	strace $0x90000047  }
0xbf: {  	[bflag:$0x2] =	sbarrier.arrive $0xFFFF  }
0xc0: {  	s0 =	rddreg [dreg:$0x4]  }
0xc1: {  	s0 =	sadd.s32 @!p0 $0x100000, s0  }
0xc2: {  	[sflag:s0] =	ssyncadd.tile.s32 @!p0 $0x1;
	_ =	shalt  }
.Lfunc_end2:
_tile_overlayer_lowered:
.L_overlay_start_2:
0xc3: {  	(tag) =	ssettag $0x2  }
0xc4: {  	s0 =	rddreg [dreg:$0x0];
	s2 =	stileid.u32  }
0xc5: {  	s1 =	rddreg [dreg:$0x1];
	p0 =	sne.s32 s2, $0x0  }
0xc6: {  	s3 =	rddreg [dreg:$0x2];
	[bflag:$0x3] =	sbarrier.arrive $0xFFFF;
	s2 =	simm.s32 @!p0 $0x1C05  }
0xc7: {  	[timem:s3], [sflag:s2] =	dma.local @!p0 [hbm:s0], s1  }
0xc8: {  	s0 =	simm.s32 @!p0 $0x5  }
0xc9: {  	_ =	swait.ge @!p0 [sflag:s0], s1  }
0xca: {  	s1 =	ssub.s32 @!p0 $0x0, s1;
	[sflag:s0] =	ssyncset.done @!p0 $0x0  }
0xcb: {  	[sflag:s0] =	ssyncadd.s32 @!p0 s1  }
0xcc: {  	[bflag:$0x3] =	sbarrier.arrive $0xFFFF  }
0xcd: {  	_ =	shalt  }

</sc_bundles>
